<compile_context>
chip_gen: v7x
topology: tpu7x:2x2x1
jax: 0.10.2.dev20260603
libtpu: 0.0.44.dev20260713+nightly
codegen_flags: <defaults>
</compile_context>

<pallas_src>
import functools

import jax
import jax.numpy as jnp
from jax import lax
from jax.experimental import pallas as pl
from jax.experimental.pallas import tpu as pltpu
from jax.experimental.pallas import tpu_sc as plsc

N = 10000
E = 320000
D = 128
L = 3
BN_EPS = 1e-5

NC = 2
NS = 16
NW = NC * NS
K = 128
NCH = 79
EPAD = NW * NCH * K
NPAD = 10112
RPT = NPAD // NS
RB = 2528
GRID = NPAD // RB
XB = 2000
XGRID = N // XB



@functools.cache
def _mesh():
    return plsc.VectorSubcoreMesh(
        core_axis_name="c", subcore_axis_name="s", num_cores=NC, num_subcores=NS
    )


def _deg_body(dst_hbm, z16_hbm, ones_hbm, out_hbm, dst_v, ones_v, acc, gsem):
    c = lax.axis_index("c")
    s = lax.axis_index("s")
    w = c * NS + s
    d0 = pltpu.async_copy(ones_hbm, ones_v, gsem)
    d1 = pltpu.async_copy(
        z16_hbm.at[pl.ds(s * RPT, RPT)], acc.at[pl.ds(s * RPT, RPT)], gsem
    )
    d2 = pltpu.async_copy(dst_hbm.at[w], dst_v, gsem)
    d0.wait()
    d1.wait()
    d2.wait()
    plsc.subcore_barrier()

    def chunk(j, _):
        pltpu.sync_copy(ones_v, acc.at[dst_v.at[j]], add=True)
        return 0

    lax.fori_loop(0, NCH, chunk, 0)
    plsc.subcore_barrier()
    pltpu.sync_copy(
        acc.at[pl.ds(s * RPT, RPT)], out_hbm.at[pl.ds(c * NPAD + s * RPT, RPT)]
    )


@functools.cache
def _deg_call():
    return pl.kernel(
        _deg_body,
        out_type=jax.ShapeDtypeStruct((NC * NPAD, D), jnp.float32),
        mesh=_mesh(),
        scratch_types=[
            pltpu.VMEM((NCH, K), jnp.int32),
            pltpu.VMEM((K, D), jnp.float32),
            pltpu.VMEM_SHARED((NPAD, D), jnp.float32),
            pltpu.SemaphoreType.DMA,
        ],
    )


def _scatter_body(src_hbm, dst_hbm, g_hbm, zd_hbm, out_hbm, src_v, dst_v, buf0, acc, gsem, isem):
    c = lax.axis_index("c")
    s = lax.axis_index("s")
    w = c * NS + s
    d0 = pltpu.async_copy(
        zd_hbm.at[pl.ds(s * RPT, RPT)], acc.at[pl.ds(s * RPT, RPT)], gsem
    )
    d1 = pltpu.async_copy(src_hbm.at[w], src_v, isem)
    d2 = pltpu.async_copy(dst_hbm.at[w], dst_v, gsem)
    d1.wait()
    dg = pltpu.async_copy(g_hbm.at[src_v.at[0]], buf0, isem)
    d0.wait()
    d2.wait()
    plsc.subcore_barrier()
    dg.wait()
    pltpu.sync_copy(buf0, acc.at[dst_v.at[0]], add=True)

    def chunk(j, _):
        pltpu.async_copy(g_hbm.at[src_v.at[j]], buf0, gsem).wait()
        pltpu.sync_copy(buf0, acc.at[dst_v.at[j]], add=True)
        return 0

    lax.fori_loop(1, NCH, chunk, 0)
    plsc.subcore_barrier()
    pltpu.sync_copy(
        acc.at[pl.ds(s * RPT, RPT)], out_hbm.at[pl.ds(c * NPAD + s * RPT, RPT)]
    )


@functools.cache
def _scatter_call():
    return pl.kernel(
        _scatter_body,
        out_type=jax.ShapeDtypeStruct((NC * NPAD, D), jnp.float32),
        mesh=_mesh(),
        scratch_types=[
            pltpu.VMEM((NCH, K), jnp.int32),
            pltpu.VMEM((NCH, K), jnp.int32),
            pltpu.VMEM((K, D), jnp.float32),
            pltpu.VMEM_SHARED((NPAD, D), jnp.float32),
            pltpu.SemaphoreType.DMA,
            pltpu.SemaphoreType.DMA,
        ],
    )



def _enc_body(x_ref, wenc_ref, benc_ref, wc_ref, out_ref):
    h = jnp.dot(x_ref[...], wenc_ref[...], preferred_element_type=jnp.float32)
    h = h + benc_ref[...]
    out_ref[...] = jnp.dot(h, wc_ref[0], preferred_element_type=jnp.float32)


_enc_call = pl.pallas_call(
    _enc_body,
    grid=(XGRID,),
    in_specs=[
        pl.BlockSpec((XB, D), lambda i: (i, 0)),
        pl.BlockSpec((D, D), lambda i: (0, 0)),
        pl.BlockSpec((1, D), lambda i: (0, 0)),
        pl.BlockSpec((1, D, D), lambda i: (0, 0, 0)),
    ],
    out_specs=pl.BlockSpec((XB, D), lambda i: (i, 0)),
    out_shape=jax.ShapeDtypeStruct((NPAD, D), jnp.float32),
)


def _scale_body(deg_ref, hw_ref, g_ref, dinv_ref):
    i = pl.program_id(0)
    d2 = deg_ref[...]
    degs = d2[0, :, 0:1] + d2[1, :, 0:1] + 1.0
    dcol = lax.rsqrt(jnp.maximum(degs, 1.0))
    rows = i * RB + lax.broadcasted_iota(jnp.int32, (RB, 1), 0)
    mask = rows < N
    g_ref[...] = jnp.where(mask, dcol * hw_ref[...], 0.0)
    dinv_ref[...] = jnp.where(mask, dcol, 0.0)


_scale_call = pl.pallas_call(
    _scale_body,
    grid=(GRID,),
    in_specs=[
        pl.BlockSpec((NC, RB, D), lambda i: (0, i, 0)),
        pl.BlockSpec((RB, D), lambda i: (i, 0)),
    ],
    out_specs=[
        pl.BlockSpec((RB, D), lambda i: (i, 0)),
        pl.BlockSpec((RB, 1), lambda i: (i, 0)),
    ],
    out_shape=[
        jax.ShapeDtypeStruct((NPAD, D), jnp.float32),
        jax.ShapeDtypeStruct((NPAD, 1), jnp.float32),
    ],
)


def _update_body(l, s_ref, g_ref, dinv_ref, wc_ref, bc_ref, gam_ref, bet_ref, out_ref):
    i = pl.program_id(0)
    s2 = s_ref[...]
    agg = s2[0] + s2[1] + g_ref[...]
    dcol = dinv_ref[...]
    out = dcol * agg + bc_ref[0]
    inv = (1.0 + BN_EPS) ** -0.5
    h = out * (gam_ref[0] * inv) + bet_ref[0]
    if l < L - 1:
        h = jnp.maximum(h, 0.0)
        hw = jnp.dot(h, wc_ref[0], preferred_element_type=jnp.float32)
        rows = i * RB + lax.broadcasted_iota(jnp.int32, (RB, 1), 0)
        out_ref[...] = jnp.where(rows < N, dcol * hw, 0.0)
    else:
        out_ref[...] = h


def _make_update(l):
    wnext = min(l + 1, L - 1)
    out_rows = NPAD if l < L - 1 else N
    return pl.pallas_call(
        functools.partial(_update_body, l),
        grid=(GRID,),
        in_specs=[
            pl.BlockSpec((NC, RB, D), lambda i: (0, i, 0)),
            pl.BlockSpec((RB, D), lambda i: (i, 0)),
            pl.BlockSpec((RB, 1), lambda i: (i, 0)),
            pl.BlockSpec((1, D, D), lambda i, w=wnext: (w, 0, 0)),
            pl.BlockSpec((1, 1, D), lambda i, w=l: (w, 0, 0)),
            pl.BlockSpec((1, 1, D), lambda i, w=l: (w, 0, 0)),
            pl.BlockSpec((1, 1, D), lambda i, w=l: (w, 0, 0)),
        ],
        out_specs=pl.BlockSpec((RB, D), lambda i: (i, 0)),
        out_shape=jax.ShapeDtypeStruct((out_rows, D), jnp.float32),
    )


_update_calls = [_make_update(l) for l in range(L)]



def kernel(x, edge_index, Wenc, benc, Wc, bc, gamma, beta):
    src = edge_index[0]
    dst = edge_index[1]
    pad = EPAD - E
    pad_idx = (jnp.arange(pad, dtype=jnp.int32) % (NPAD - N)) + N
    srcp = jnp.concatenate([src, pad_idx]).reshape(NW, NCH, K)
    dstp = jnp.concatenate([dst, pad_idx]).reshape(NW, NCH, K)
    zd = jnp.zeros((NPAD, D), jnp.float32)

    onesd = jnp.ones((K, D), jnp.float32)
    deg = _deg_call()(dstp, zd, onesd).reshape(NC, NPAD, D)
    h0w = _enc_call(x.astype(jnp.float32), Wenc, benc.reshape(1, D), Wc)
    g, dinv = _scale_call(deg, h0w)
    bc3 = bc.reshape(L, 1, D)
    gam3 = gamma.reshape(L, 1, D)
    bet3 = beta.reshape(L, 1, D)
    for l in range(L):
        s_part = _scatter_call()(srcp, dstp, g, zd).reshape(NC, NPAD, D)
        g = _update_calls[l](s_part, g, dinv, Wc, bc3, gam3, bet3)
    return g

# --- scband reference (transcript-rebuilt; emitter-appended) ---
"""Pipeline reference for scband-gnn-emb-82300163326466 (READ-ONLY COPY).

The authoritative reference and input builder live on the scoring server;
editing this copy changes nothing except your own understanding.
"""

import jax, jax.numpy as jnp
import numpy as np

N = 10000
E = 320000
D = 128
L = 3
BN_EPS = 1e-5


def setup_inputs(seed: int = 0) -> dict:
    key = jax.random.key(seed)
    ks = jax.random.split(key, 8)
    x = jax.random.normal(ks[0], (N, D), dtype=jnp.float32)
    edge_index = jax.random.randint(ks[1], (2, E), 0, N, dtype=jnp.int32)
    Wenc = jax.random.normal(ks[2], (D, D), dtype=jnp.float32) * 0.05
    benc = jnp.zeros((D,), dtype=jnp.float32)
    Wc = jax.random.normal(ks[3], (L, D, D), dtype=jnp.float32) * 0.05
    bc = jnp.zeros((L, D), dtype=jnp.float32)
    gamma = jnp.ones((L, D), dtype=jnp.float32)
    beta = jnp.zeros((L, D), dtype=jnp.float32)
    return {"x": x, "edge_index": edge_index, "Wenc": Wenc, "benc": benc,
            "Wc": Wc, "bc": bc, "gamma": gamma, "beta": beta}


def _gcn_conv(h, src, dst, W, b):
    # PyG GCNConv: x' = D^{-1/2} (A + I) D^{-1/2} (h W) + b
    hw = h @ W
    loop = jnp.arange(N, dtype=src.dtype)
    src2 = jnp.concatenate([src, loop])
    dst2 = jnp.concatenate([dst, loop])
    deg = jnp.zeros((N,), dtype=h.dtype).at[dst2].add(1.0)
    dinv = 1.0 / jnp.sqrt(jnp.clip(deg, 1.0))
    norm = dinv[src2] * dinv[dst2]
    msg = hw[src2] * norm[:, None]
    out = jax.ops.segment_sum(msg, dst2, num_segments=N)
    return out + b


def reference(x, edge_index, Wenc, benc, Wc, bc, gamma, beta):
    src = edge_index[0]
    dst = edge_index[1]
    h = x.astype(jnp.float32) @ Wenc + benc  # atom_encoder
    for layer in range(L):
        h = _gcn_conv(h, src, dst, Wc[layer], bc[layer])
        # BatchNorm1d in eval mode (running_mean=0, running_var=1 as default buffers)
        h = h / jnp.sqrt(1.0 + BN_EPS) * gamma[layer] + beta[layer]
        if layer != L - 1:
            h = jax.nn.relu(h)
        # dropout is identity in eval mode
    return h  # JK == 'last'

if __name__ == "__main__":
    import jax
    _d = setup_inputs()
    print(jax.jit(kernel)(*tuple(_d.values())))

</pallas_src>

<mosaic_0001>
#map = affine_map<(d0, d1) -> (0, 0, 0)>
#map1 = affine_map<(d0, d1) -> (0, 0)>
module attributes {stable_mosaic.version = 14 : i64} {
  func.func @_scatter_body(%arg0: i32, %arg1: i32, %arg2: memref<32x79x128xi32, #tpu.memory_space<hbm>>, %arg3: memref<32x79x128xi32, #tpu.memory_space<hbm>>, %arg4: memref<10112x128xf32, #tpu.memory_space<hbm>>, %arg5: memref<10112x128xf32, #tpu.memory_space<hbm>>, %arg6: memref<20224x128xf32, #tpu.memory_space<hbm>>, %arg7: memref<79x128xi32, #tpu.memory_space<vmem>>, %arg8: memref<79x128xi32, #tpu.memory_space<vmem>>, %arg9: memref<128x128xf32, #tpu.memory_space<vmem>>, %arg10: memref<10112x128xf32, #tpu.memory_space<vmem_shared>>, %arg11: memref<!tpu.dma_semaphore, #tpu.memory_space<semaphore_mem>>, %arg12: memref<!tpu.dma_semaphore, #tpu.memory_space<semaphore_mem>>) attributes {dimension_semantics = [#tpu.dimension_semantics<core_parallel>, #tpu.dimension_semantics<subcore_parallel>], iteration_bounds = array<i64: 2, 16>, scalar_prefetch = 0 : i64, scratch_operands = 6 : i64, tpu.core_type = #tpu.core_type<sc_vector_subcore>, window_params = [{transform_indices = #map}, {transform_indices = #map}, {transform_indices = #map1}, {transform_indices = #map1}, {transform_indices = #map1}]} {
    %mul3A = arith.constant 16 : i32
    %mul3A_0 = arith.muli %arg0, %mul3A : i32
    %add3A = arith.addi %mul3A_0, %arg1 : i32
    %mul3A_1 = arith.constant 632 : i32
    %mul3A_2 = arith.muli %arg1, %mul3A_1 : i32
    %mul3A_3 = arith.constant 632 : i32
    %mul3A_4 = arith.muli %arg1, %mul3A_3 : i32
    %dma_start3A = arith.constant 0 : i32
    %dma_start3A_5 = tpu.memref_slice %arg10[%mul3A_4, %dma_start3A] : memref<10112x128xf32, #tpu.memory_space<vmem_shared>> -> memref<632x128xf32, #tpu.memory_space<vmem_shared>>
    %dma_start3A_6 = arith.constant 0 : i32
    %dma_start3A_7 = tpu.memref_slice %arg5[%mul3A_2, %dma_start3A_6] : memref<10112x128xf32, #tpu.memory_space<hbm>> -> memref<632x128xf32, #tpu.memory_space<hbm>>
    tpu.enqueue_dma source(%dma_start3A_7 : memref<632x128xf32, #tpu.memory_space<hbm>>) target(%dma_start3A_5 : memref<632x128xf32, #tpu.memory_space<vmem_shared>>) target_semaphore(%arg11 : memref<!tpu.dma_semaphore, #tpu.memory_space<semaphore_mem>>)
    %dma_start3A_8 = arith.constant 0 : i32
    %dma_start3A_9 = arith.constant 0 : i32
    %dma_start3A_10 = tpu.memref_slice %arg2[%add3A, %dma_start3A_8, %dma_start3A_9] : memref<32x79x128xi32, #tpu.memory_space<hbm>> -> memref<1x79x128xi32, #tpu.memory_space<hbm>>
    %dma_start3A_11 = tpu.memref_squeeze %dma_start3A_10 : memref<1x79x128xi32, #tpu.memory_space<hbm>> -> memref<79x128xi32, #tpu.memory_space<hbm>>
    %dma_start3A_12 = arith.constant 0 : i32
    %dma_start3A_13 = arith.constant 0 : i32
    %dma_start3A_14 = tpu.memref_slice %arg2[%add3A, %dma_start3A_12, %dma_start3A_13] : memref<32x79x128xi32, #tpu.memory_space<hbm>> -> memref<1x79x128xi32, #tpu.memory_space<hbm>>
    %dma_start3A_15 = tpu.memref_squeeze %dma_start3A_14 : memref<1x79x128xi32, #tpu.memory_space<hbm>> -> memref<79x128xi32, #tpu.memory_space<hbm>>
    tpu.enqueue_dma source(%dma_start3A_15 : memref<79x128xi32, #tpu.memory_space<hbm>>) target(%arg7 : memref<79x128xi32, #tpu.memory_space<vmem>>) target_semaphore(%arg12 : memref<!tpu.dma_semaphore, #tpu.memory_space<semaphore_mem>>)
    %dma_start3A_16 = arith.constant 0 : i32
    %dma_start3A_17 = arith.constant 0 : i32
    %dma_start3A_18 = tpu.memref_slice %arg3[%add3A, %dma_start3A_16, %dma_start3A_17] : memref<32x79x128xi32, #tpu.memory_space<hbm>> -> memref<1x79x128xi32, #tpu.memory_space<hbm>>
    %dma_start3A_19 = tpu.memref_squeeze %dma_start3A_18 : memref<1x79x128xi32, #tpu.memory_space<hbm>> -> memref<79x128xi32, #tpu.memory_space<hbm>>
    %dma_start3A_20 = arith.constant 0 : i32
    %dma_start3A_21 = arith.constant 0 : i32
    %dma_start3A_22 = tpu.memref_slice %arg3[%add3A, %dma_start3A_20, %dma_start3A_21] : memref<32x79x128xi32, #tpu.memory_space<hbm>> -> memref<1x79x128xi32, #tpu.memory_space<hbm>>
    %dma_start3A_23 = tpu.memref_squeeze %dma_start3A_22 : memref<1x79x128xi32, #tpu.memory_space<hbm>> -> memref<79x128xi32, #tpu.memory_space<hbm>>
    tpu.enqueue_dma source(%dma_start3A_23 : memref<79x128xi32, #tpu.memory_space<hbm>>) target(%arg8 : memref<79x128xi32, #tpu.memory_space<vmem>>) target_semaphore(%arg11 : memref<!tpu.dma_semaphore, #tpu.memory_space<semaphore_mem>>)
    %dma_wait3A = arith.constant 0 : i32
    %dma_wait3A_24 = arith.constant 0 : i32
    %dma_wait3A_25 = tpu.memref_slice %arg2[%add3A, %dma_wait3A, %dma_wait3A_24] : memref<32x79x128xi32, #tpu.memory_space<hbm>> -> memref<1x79x128xi32, #tpu.memory_space<hbm>>
    %dma_wait3A_26 = tpu.memref_squeeze %dma_wait3A_25 : memref<1x79x128xi32, #tpu.memory_space<hbm>> -> memref<79x128xi32, #tpu.memory_space<hbm>>
    %dma_wait3A_27 = arith.constant 0 : i32
    %dma_wait3A_28 = arith.constant 0 : i32
    %dma_wait3A_29 = tpu.memref_slice %arg2[%add3A, %dma_wait3A_27, %dma_wait3A_28] : memref<32x79x128xi32, #tpu.memory_space<hbm>> -> memref<1x79x128xi32, #tpu.memory_space<hbm>>
    %dma_wait3A_30 = tpu.memref_squeeze %dma_wait3A_29 : memref<1x79x128xi32, #tpu.memory_space<hbm>> -> memref<79x128xi32, #tpu.memory_space<hbm>>
    tpu.wait_dma2 semaphore(%arg12 : memref<!tpu.dma_semaphore, #tpu.memory_space<semaphore_mem>>) src(%dma_wait3A_30 : memref<79x128xi32, #tpu.memory_space<hbm>>) dst(%arg7 : memref<79x128xi32, #tpu.memory_space<vmem>>)
    %dma_start3A_31 = arith.constant 0 : i32
    %dma_start3A_32 = arith.constant 0 : i32
    %dma_start3A_33 = tpu.memref_slice %arg7[%dma_start3A_31, %dma_start3A_32] : memref<79x128xi32, #tpu.memory_space<vmem>> -> memref<1x128xi32, #tpu.memory_space<vmem>>
    %dma_start3A_34 = tpu.memref_squeeze %dma_start3A_33 : memref<1x128xi32, #tpu.memory_space<vmem>> -> memref<128xi32, #tpu.memory_space<vmem>>
    %dma_start3A_35 = arith.constant 0 : i32
    %dma_start3A_36 = arith.constant 0 : i32
    %dma_start3A_37 = tpu.memref_slice %arg4[%dma_start3A_35, %dma_start3A_36] : memref<10112x128xf32, #tpu.memory_space<hbm>> -> memref<10112x128xf32, #tpu.memory_space<hbm>>
    tpu.enqueue_indirect_dma source(%dma_start3A_37 : memref<10112x128xf32, #tpu.memory_space<hbm>>) target(%arg9 : memref<128x128xf32, #tpu.memory_space<vmem>>) offsets(%dma_start3A_34 : memref<128xi32, #tpu.memory_space<vmem>>) semaphore(%arg12 : memref<!tpu.dma_semaphore, #tpu.memory_space<semaphore_mem>>)
    %dma_wait3A_38 = arith.constant 0 : i32
    %dma_wait3A_39 = tpu.memref_slice %arg10[%mul3A_4, %dma_wait3A_38] : memref<10112x128xf32, #tpu.memory_space<vmem_shared>> -> memref<632x128xf32, #tpu.memory_space<vmem_shared>>
    %dma_wait3A_40 = arith.constant 0 : i32
    %dma_wait3A_41 = tpu.memref_slice %arg5[%mul3A_2, %dma_wait3A_40] : memref<10112x128xf32, #tpu.memory_space<hbm>> -> memref<632x128xf32, #tpu.memory_space<hbm>>
    tpu.wait_dma2 semaphore(%arg11 : memref<!tpu.dma_semaphore, #tpu.memory_space<semaphore_mem>>) src(%dma_wait3A_41 : memref<632x128xf32, #tpu.memory_space<hbm>>) dst(%dma_wait3A_39 : memref<632x128xf32, #tpu.memory_space<vmem_shared>>)
    %dma_wait3A_42 = arith.constant 0 : i32
    %dma_wait3A_43 = arith.constant 0 : i32
    %dma_wait3A_44 = tpu.memref_slice %arg3[%add3A, %dma_wait3A_42, %dma_wait3A_43] : memref<32x79x128xi32, #tpu.memory_space<hbm>> -> memref<1x79x128xi32, #tpu.memory_space<hbm>>
    %dma_wait3A_45 = tpu.memref_squeeze %dma_wait3A_44 : memref<1x79x128xi32, #tpu.memory_space<hbm>> -> memref<79x128xi32, #tpu.memory_space<hbm>>
    %dma_wait3A_46 = arith.constant 0 : i32
    %dma_wait3A_47 = arith.constant 0 : i32
    %dma_wait3A_48 = tpu.memref_slice %arg3[%add3A, %dma_wait3A_46, %dma_wait3A_47] : memref<32x79x128xi32, #tpu.memory_space<hbm>> -> memref<1x79x128xi32, #tpu.memory_space<hbm>>
    %dma_wait3A_49 = tpu.memref_squeeze %dma_wait3A_48 : memref<1x79x128xi32, #tpu.memory_space<hbm>> -> memref<79x128xi32, #tpu.memory_space<hbm>>
    tpu.wait_dma2 semaphore(%arg11 : memref<!tpu.dma_semaphore, #tpu.memory_space<semaphore_mem>>) src(%dma_wait3A_49 : memref<79x128xi32, #tpu.memory_space<hbm>>) dst(%arg8 : memref<79x128xi32, #tpu.memory_space<vmem>>)
    %barrier3A = arith.constant 0 : index
    tpu.barrier barrier_id(%barrier3A)
    %dma_wait3A_50 = arith.constant 0 : i32
    %dma_wait3A_51 = arith.constant 0 : i32
    %dma_wait3A_52 = tpu.memref_slice %arg7[%dma_wait3A_50, %dma_wait3A_51] : memref<79x128xi32, #tpu.memory_space<vmem>> -> memref<1x128xi32, #tpu.memory_space<vmem>>
    %dma_wait3A_53 = tpu.memref_squeeze %dma_wait3A_52 : memref<1x128xi32, #tpu.memory_space<vmem>> -> memref<128xi32, #tpu.memory_space<vmem>>
    %dma_wait3A_54 = arith.constant 0 : i32
    %dma_wait3A_55 = arith.constant 0 : i32
    %dma_wait3A_56 = tpu.memref_slice %arg4[%dma_wait3A_54, %dma_wait3A_55] : memref<10112x128xf32, #tpu.memory_space<hbm>> -> memref<10112x128xf32, #tpu.memory_space<hbm>>
    tpu.wait_indirect_dma semaphore(%arg12 : memref<!tpu.dma_semaphore, #tpu.memory_space<semaphore_mem>>) src(%dma_wait3A_56 : memref<10112x128xf32, #tpu.memory_space<hbm>>) dst(%arg9 : memref<128x128xf32, #tpu.memory_space<vmem>>)
    %run_scoped3A = arith.constant 0 : i32
    "tpu.region"() ({
      %run_scoped3A_71 = tpu.sem_alloc : memref<!tpu.dma_semaphore, #tpu.memory_space<semaphore_mem>>
      %dma_start3A_72 = arith.constant 0 : i32
      %dma_start3A_73 = tpu.memref_slice %arg8[%run_scoped3A, %dma_start3A_72] : memref<79x128xi32, #tpu.memory_space<vmem>> -> memref<1x128xi32, #tpu.memory_space<vmem>>
      %dma_start3A_74 = tpu.memref_squeeze %dma_start3A_73 : memref<1x128xi32, #tpu.memory_space<vmem>> -> memref<128xi32, #tpu.memory_space<vmem>>
      %dma_start3A_75 = arith.constant 0 : i32
      %dma_start3A_76 = arith.constant 0 : i32
      %dma_start3A_77 = tpu.memref_slice %arg10[%dma_start3A_75, %dma_start3A_76] : memref<10112x128xf32, #tpu.memory_space<vmem_shared>> -> memref<10112x128xf32, #tpu.memory_space<vmem_shared>>
      tpu.enqueue_indirect_dma source(%arg9 : memref<128x128xf32, #tpu.memory_space<vmem>>) target(%dma_start3A_77 : memref<10112x128xf32, #tpu.memory_space<vmem_shared>>) offsets(%dma_start3A_74 : memref<128xi32, #tpu.memory_space<vmem>>) semaphore(%run_scoped3A_71 : memref<!tpu.dma_semaphore, #tpu.memory_space<semaphore_mem>>) {add = true}
      %dma_wait3A_78 = arith.constant 0 : i32
      %dma_wait3A_79 = tpu.memref_slice %arg8[%run_scoped3A, %dma_wait3A_78] : memref<79x128xi32, #tpu.memory_space<vmem>> -> memref<1x128xi32, #tpu.memory_space<vmem>>
      %dma_wait3A_80 = tpu.memref_squeeze %dma_wait3A_79 : memref<1x128xi32, #tpu.memory_space<vmem>> -> memref<128xi32, #tpu.memory_space<vmem>>
      %dma_wait3A_81 = arith.constant 0 : i32
      %dma_wait3A_82 = arith.constant 0 : i32
      %dma_wait3A_83 = tpu.memref_slice %arg10[%dma_wait3A_81, %dma_wait3A_82] : memref<10112x128xf32, #tpu.memory_space<vmem_shared>> -> memref<10112x128xf32, #tpu.memory_space<vmem_shared>>
      tpu.wait_indirect_dma semaphore(%run_scoped3A_71 : memref<!tpu.dma_semaphore, #tpu.memory_space<semaphore_mem>>) src(%arg9 : memref<128x128xf32, #tpu.memory_space<vmem>>) dst(%dma_wait3A_83 : memref<10112x128xf32, #tpu.memory_space<vmem_shared>>)
      tpu.yield
    }) : () -> ()
    %scan3A = arith.constant 0 : i32
    %scan3A_57 = arith.constant 1 : i32
    %scan3A_58 = arith.constant 78 : i32
    %scan3A_59 = arith.addi %scan3A_57, %scan3A_58 : i32
    %scan3A_60 = arith.constant 1 : i32
    %scan3A_61 = scf.for %scan3A_71 = %scan3A_57 to %scan3A_59 step %scan3A_60 iter_args(%scan3A_72 = %scan3A) -> (i32)  : i32 {
      %dma_start3A_73 = arith.constant 0 : i32
      %dma_start3A_74 = tpu.memref_slice %arg7[%scan3A_71, %dma_start3A_73] : memref<79x128xi32, #tpu.memory_space<vmem>> -> memref<1x128xi32, #tpu.memory_space<vmem>>
      %dma_start3A_75 = tpu.memref_squeeze %dma_start3A_74 : memref<1x128xi32, #tpu.memory_space<vmem>> -> memref<128xi32, #tpu.memory_space<vmem>>
      %dma_start3A_76 = arith.constant 0 : i32
      %dma_start3A_77 = arith.constant 0 : i32
      %dma_start3A_78 = tpu.memref_slice %arg4[%dma_start3A_76, %dma_start3A_77] : memref<10112x128xf32, #tpu.memory_space<hbm>> -> memref<10112x128xf32, #tpu.memory_space<hbm>>
      tpu.enqueue_indirect_dma source(%dma_start3A_78 : memref<10112x128xf32, #tpu.memory_space<hbm>>) target(%arg9 : memref<128x128xf32, #tpu.memory_space<vmem>>) offsets(%dma_start3A_75 : memref<128xi32, #tpu.memory_space<vmem>>) semaphore(%arg11 : memref<!tpu.dma_semaphore, #tpu.memory_space<semaphore_mem>>)
      %dma_wait3A_79 = arith.constant 0 : i32
      %dma_wait3A_80 = tpu.memref_slice %arg7[%scan3A_71, %dma_wait3A_79] : memref<79x128xi32, #tpu.memory_space<vmem>> -> memref<1x128xi32, #tpu.memory_space<vmem>>
      %dma_wait3A_81 = tpu.memref_squeeze %dma_wait3A_80 : memref<1x128xi32, #tpu.memory_space<vmem>> -> memref<128xi32, #tpu.memory_space<vmem>>
      %dma_wait3A_82 = arith.constant 0 : i32
      %dma_wait3A_83 = arith.constant 0 : i32
      %dma_wait3A_84 = tpu.memref_slice %arg4[%dma_wait3A_82, %dma_wait3A_83] : memref<10112x128xf32, #tpu.memory_space<hbm>> -> memref<10112x128xf32, #tpu.memory_space<hbm>>
      tpu.wait_indirect_dma semaphore(%arg11 : memref<!tpu.dma_semaphore, #tpu.memory_space<semaphore_mem>>) src(%dma_wait3A_84 : memref<10112x128xf32, #tpu.memory_space<hbm>>) dst(%arg9 : memref<128x128xf32, #tpu.memory_space<vmem>>)
      "tpu.region"() ({
        %run_scoped3A_86 = tpu.sem_alloc : memref<!tpu.dma_semaphore, #tpu.memory_space<semaphore_mem>>
        %dma_start3A_87 = arith.constant 0 : i32
        %dma_start3A_88 = tpu.memref_slice %arg8[%scan3A_71, %dma_start3A_87] : memref<79x128xi32, #tpu.memory_space<vmem>> -> memref<1x128xi32, #tpu.memory_space<vmem>>
        %dma_start3A_89 = tpu.memref_squeeze %dma_start3A_88 : memref<1x128xi32, #tpu.memory_space<vmem>> -> memref<128xi32, #tpu.memory_space<vmem>>
        %dma_start3A_90 = arith.constant 0 : i32
        %dma_start3A_91 = arith.constant 0 : i32
        %dma_start3A_92 = tpu.memref_slice %arg10[%dma_start3A_90, %dma_start3A_91] : memref<10112x128xf32, #tpu.memory_space<vmem_shared>> -> memref<10112x128xf32, #tpu.memory_space<vmem_shared>>
        tpu.enqueue_indirect_dma source(%arg9 : memref<128x128xf32, #tpu.memory_space<vmem>>) target(%dma_start3A_92 : memref<10112x128xf32, #tpu.memory_space<vmem_shared>>) offsets(%dma_start3A_89 : memref<128xi32, #tpu.memory_space<vmem>>) semaphore(%run_scoped3A_86 : memref<!tpu.dma_semaphore, #tpu.memory_space<semaphore_mem>>) {add = true}
        %dma_wait3A_93 = arith.constant 0 : i32
        %dma_wait3A_94 = tpu.memref_slice %arg8[%scan3A_71, %dma_wait3A_93] : memref<79x128xi32, #tpu.memory_space<vmem>> -> memref<1x128xi32, #tpu.memory_space<vmem>>
        %dma_wait3A_95 = tpu.memref_squeeze %dma_wait3A_94 : memref<1x128xi32, #tpu.memory_space<vmem>> -> memref<128xi32, #tpu.memory_space<vmem>>
        %dma_wait3A_96 = arith.constant 0 : i32
        %dma_wait3A_97 = arith.constant 0 : i32
        %dma_wait3A_98 = tpu.memref_slice %arg10[%dma_wait3A_96, %dma_wait3A_97] : memref<10112x128xf32, #tpu.memory_space<vmem_shared>> -> memref<10112x128xf32, #tpu.memory_space<vmem_shared>>
        tpu.wait_indirect_dma semaphore(%run_scoped3A_86 : memref<!tpu.dma_semaphore, #tpu.memory_space<semaphore_mem>>) src(%arg9 : memref<128x128xf32, #tpu.memory_space<vmem>>) dst(%dma_wait3A_98 : memref<10112x128xf32, #tpu.memory_space<vmem_shared>>)
        tpu.yield
      }) : () -> ()
      %scan3A_85 = arith.constant 0 : i32
      scf.yield %scan3A_85 : i32
    }
    %scan3A_62 = arith.constant 78 : i32
    %barrier3A_63 = arith.constant 0 : index
    tpu.barrier barrier_id(%barrier3A_63)
    %mul3A_64 = arith.constant 632 : i32
    %mul3A_65 = arith.muli %arg1, %mul3A_64 : i32
    %mul3A_66 = arith.constant 10112 : i32
    %mul3A_67 = arith.muli %arg0, %mul3A_66 : i32
    %mul3A_68 = arith.constant 632 : i32
    %mul3A_69 = arith.muli %arg1, %mul3A_68 : i32
    %add3A_70 = arith.addi %mul3A_67, %mul3A_69 : i32
    "tpu.region"() ({
      %run_scoped3A_71 = tpu.sem_alloc : memref<!tpu.dma_semaphore, #tpu.memory_space<semaphore_mem>>
      %dma_start3A_72 = arith.constant 0 : i32
      %dma_start3A_73 = tpu.memref_slice %arg6[%add3A_70, %dma_start3A_72] : memref<20224x128xf32, #tpu.memory_space<hbm>> -> memref<632x128xf32, #tpu.memory_space<hbm>>
      %dma_start3A_74 = arith.constant 0 : i32
      %dma_start3A_75 = tpu.memref_slice %arg10[%mul3A_65, %dma_start3A_74] : memref<10112x128xf32, #tpu.memory_space<vmem_shared>> -> memref<632x128xf32, #tpu.memory_space<vmem_shared>>
      tpu.enqueue_dma source(%dma_start3A_75 : memref<632x128xf32, #tpu.memory_space<vmem_shared>>) target(%dma_start3A_73 : memref<632x128xf32, #tpu.memory_space<hbm>>) target_semaphore(%run_scoped3A_71 : memref<!tpu.dma_semaphore, #tpu.memory_space<semaphore_mem>>)
      %dma_wait3A_76 = arith.constant 0 : i32
      %dma_wait3A_77 = tpu.memref_slice %arg6[%add3A_70, %dma_wait3A_76] : memref<20224x128xf32, #tpu.memory_space<hbm>> -> memref<632x128xf32, #tpu.memory_space<hbm>>
      %dma_wait3A_78 = arith.constant 0 : i32
      %dma_wait3A_79 = tpu.memref_slice %arg10[%mul3A_65, %dma_wait3A_78] : memref<10112x128xf32, #tpu.memory_space<vmem_shared>> -> memref<632x128xf32, #tpu.memory_space<vmem_shared>>
      tpu.wait_dma2 semaphore(%run_scoped3A_71 : memref<!tpu.dma_semaphore, #tpu.memory_space<semaphore_mem>>) src(%dma_wait3A_79 : memref<632x128xf32, #tpu.memory_space<vmem_shared>>) dst(%dma_wait3A_77 : memref<632x128xf32, #tpu.memory_space<hbm>>)
      tpu.yield
    }) : () -> ()
    return
  }
}

#map = affine_map<(d0, d1) -> (0, 0, 0)>
#map1 = affine_map<(d0, d1) -> (0, 0)>
module attributes {stable_mosaic.version = 14 : i64} {
  func.func @_deg_body(%arg0: i32, %arg1: i32, %arg2: memref<32x79x128xi32, #tpu.memory_space<hbm>>, %arg3: memref<10112x128xf32, #tpu.memory_space<hbm>>, %arg4: memref<128x128xf32, #tpu.memory_space<hbm>>, %arg5: memref<20224x128xf32, #tpu.memory_space<hbm>>, %arg6: memref<79x128xi32, #tpu.memory_space<vmem>>, %arg7: memref<128x128xf32, #tpu.memory_space<vmem>>, %arg8: memref<10112x128xf32, #tpu.memory_space<vmem_shared>>, %arg9: memref<!tpu.dma_semaphore, #tpu.memory_space<semaphore_mem>>) attributes {dimension_semantics = [#tpu.dimension_semantics<core_parallel>, #tpu.dimension_semantics<subcore_parallel>], iteration_bounds = array<i64: 2, 16>, scalar_prefetch = 0 : i64, scratch_operands = 4 : i64, tpu.core_type = #tpu.core_type<sc_vector_subcore>, window_params = [{transform_indices = #map}, {transform_indices = #map1}, {transform_indices = #map1}, {transform_indices = #map1}]} {
    %mul3A = arith.constant 16 : i32
    %mul3A_0 = arith.muli %arg0, %mul3A : i32
    %add3A = arith.addi %mul3A_0, %arg1 : i32
    tpu.enqueue_dma source(%arg4 : memref<128x128xf32, #tpu.memory_space<hbm>>) target(%arg7 : memref<128x128xf32, #tpu.memory_space<vmem>>) target_semaphore(%arg9 : memref<!tpu.dma_semaphore, #tpu.memory_space<semaphore_mem>>)
    %mul3A_1 = arith.constant 632 : i32
    %mul3A_2 = arith.muli %arg1, %mul3A_1 : i32
    %mul3A_3 = arith.constant 632 : i32
    %mul3A_4 = arith.muli %arg1, %mul3A_3 : i32
    %dma_start3A = arith.constant 0 : i32
    %dma_start3A_5 = tpu.memref_slice %arg8[%mul3A_4, %dma_start3A] : memref<10112x128xf32, #tpu.memory_space<vmem_shared>> -> memref<632x128xf32, #tpu.memory_space<vmem_shared>>
    %dma_start3A_6 = arith.constant 0 : i32
    %dma_start3A_7 = tpu.memref_slice %arg3[%mul3A_2, %dma_start3A_6] : memref<10112x128xf32, #tpu.memory_space<hbm>> -> memref<632x128xf32, #tpu.memory_space<hbm>>
    tpu.enqueue_dma source(%dma_start3A_7 : memref<632x128xf32, #tpu.memory_space<hbm>>) target(%dma_start3A_5 : memref<632x128xf32, #tpu.memory_space<vmem_shared>>) target_semaphore(%arg9 : memref<!tpu.dma_semaphore, #tpu.memory_space<semaphore_mem>>)
    %dma_start3A_8 = arith.constant 0 : i32
    %dma_start3A_9 = arith.constant 0 : i32
    %dma_start3A_10 = tpu.memref_slice %arg2[%add3A, %dma_start3A_8, %dma_start3A_9] : memref<32x79x128xi32, #tpu.memory_space<hbm>> -> memref<1x79x128xi32, #tpu.memory_space<hbm>>
    %dma_start3A_11 = tpu.memref_squeeze %dma_start3A_10 : memref<1x79x128xi32, #tpu.memory_space<hbm>> -> memref<79x128xi32, #tpu.memory_space<hbm>>
    %dma_start3A_12 = arith.constant 0 : i32
    %dma_start3A_13 = arith.constant 0 : i32
    %dma_start3A_14 = tpu.memref_slice %arg2[%add3A, %dma_start3A_12, %dma_start3A_13] : memref<32x79x128xi32, #tpu.memory_space<hbm>> -> memref<1x79x128xi32, #tpu.memory_space<hbm>>
    %dma_start3A_15 = tpu.memref_squeeze %dma_start3A_14 : memref<1x79x128xi32, #tpu.memory_space<hbm>> -> memref<79x128xi32, #tpu.memory_space<hbm>>
    tpu.enqueue_dma source(%dma_start3A_15 : memref<79x128xi32, #tpu.memory_space<hbm>>) target(%arg6 : memref<79x128xi32, #tpu.memory_space<vmem>>) target_semaphore(%arg9 : memref<!tpu.dma_semaphore, #tpu.memory_space<semaphore_mem>>)
    tpu.wait_dma2 semaphore(%arg9 : memref<!tpu.dma_semaphore, #tpu.memory_space<semaphore_mem>>) src(%arg4 : memref<128x128xf32, #tpu.memory_space<hbm>>) dst(%arg7 : memref<128x128xf32, #tpu.memory_space<vmem>>)
    %dma_wait3A = arith.constant 0 : i32
    %dma_wait3A_16 = tpu.memref_slice %arg8[%mul3A_4, %dma_wait3A] : memref<10112x128xf32, #tpu.memory_space<vmem_shared>> -> memref<632x128xf32, #tpu.memory_space<vmem_shared>>
    %dma_wait3A_17 = arith.constant 0 : i32
    %dma_wait3A_18 = tpu.memref_slice %arg3[%mul3A_2, %dma_wait3A_17] : memref<10112x128xf32, #tpu.memory_space<hbm>> -> memref<632x128xf32, #tpu.memory_space<hbm>>
    tpu.wait_dma2 semaphore(%arg9 : memref<!tpu.dma_semaphore, #tpu.memory_space<semaphore_mem>>) src(%dma_wait3A_18 : memref<632x128xf32, #tpu.memory_space<hbm>>) dst(%dma_wait3A_16 : memref<632x128xf32, #tpu.memory_space<vmem_shared>>)
    %dma_wait3A_19 = arith.constant 0 : i32
    %dma_wait3A_20 = arith.constant 0 : i32
    %dma_wait3A_21 = tpu.memref_slice %arg2[%add3A, %dma_wait3A_19, %dma_wait3A_20] : memref<32x79x128xi32, #tpu.memory_space<hbm>> -> memref<1x79x128xi32, #tpu.memory_space<hbm>>
    %dma_wait3A_22 = tpu.memref_squeeze %dma_wait3A_21 : memref<1x79x128xi32, #tpu.memory_space<hbm>> -> memref<79x128xi32, #tpu.memory_space<hbm>>
    %dma_wait3A_23 = arith.constant 0 : i32
    %dma_wait3A_24 = arith.constant 0 : i32
    %dma_wait3A_25 = tpu.memref_slice %arg2[%add3A, %dma_wait3A_23, %dma_wait3A_24] : memref<32x79x128xi32, #tpu.memory_space<hbm>> -> memref<1x79x128xi32, #tpu.memory_space<hbm>>
    %dma_wait3A_26 = tpu.memref_squeeze %dma_wait3A_25 : memref<1x79x128xi32, #tpu.memory_space<hbm>> -> memref<79x128xi32, #tpu.memory_space<hbm>>
    tpu.wait_dma2 semaphore(%arg9 : memref<!tpu.dma_semaphore, #tpu.memory_space<semaphore_mem>>) src(%dma_wait3A_26 : memref<79x128xi32, #tpu.memory_space<hbm>>) dst(%arg6 : memref<79x128xi32, #tpu.memory_space<vmem>>)
    %barrier3A = arith.constant 0 : index
    tpu.barrier barrier_id(%barrier3A)
    %scan3A = arith.constant 0 : i32
    %scan3A_27 = arith.constant 0 : i32
    %scan3A_28 = arith.constant 79 : i32
    %scan3A_29 = arith.addi %scan3A_27, %scan3A_28 : i32
    %scan3A_30 = arith.constant 1 : i32
    %scan3A_31 = scf.for %scan3A_41 = %scan3A_27 to %scan3A_29 step %scan3A_30 iter_args(%scan3A_42 = %scan3A) -> (i32)  : i32 {
      "tpu.region"() ({
        %run_scoped3A = tpu.sem_alloc : memref<!tpu.dma_semaphore, #tpu.memory_space<semaphore_mem>>
        %dma_start3A_44 = arith.constant 0 : i32
        %dma_start3A_45 = tpu.memref_slice %arg6[%scan3A_41, %dma_start3A_44] : memref<79x128xi32, #tpu.memory_space<vmem>> -> memref<1x128xi32, #tpu.memory_space<vmem>>
        %dma_start3A_46 = tpu.memref_squeeze %dma_start3A_45 : memref<1x128xi32, #tpu.memory_space<vmem>> -> memref<128xi32, #tpu.memory_space<vmem>>
        %dma_start3A_47 = arith.constant 0 : i32
        %dma_start3A_48 = arith.constant 0 : i32
        %dma_start3A_49 = tpu.memref_slice %arg8[%dma_start3A_47, %dma_start3A_48] : memref<10112x128xf32, #tpu.memory_space<vmem_shared>> -> memref<10112x128xf32, #tpu.memory_space<vmem_shared>>
        tpu.enqueue_indirect_dma source(%arg7 : memref<128x128xf32, #tpu.memory_space<vmem>>) target(%dma_start3A_49 : memref<10112x128xf32, #tpu.memory_space<vmem_shared>>) offsets(%dma_start3A_46 : memref<128xi32, #tpu.memory_space<vmem>>) semaphore(%run_scoped3A : memref<!tpu.dma_semaphore, #tpu.memory_space<semaphore_mem>>) {add = true}
        %dma_wait3A_50 = arith.constant 0 : i32
        %dma_wait3A_51 = tpu.memref_slice %arg6[%scan3A_41, %dma_wait3A_50] : memref<79x128xi32, #tpu.memory_space<vmem>> -> memref<1x128xi32, #tpu.memory_space<vmem>>
        %dma_wait3A_52 = tpu.memref_squeeze %dma_wait3A_51 : memref<1x128xi32, #tpu.memory_space<vmem>> -> memref<128xi32, #tpu.memory_space<vmem>>
        %dma_wait3A_53 = arith.constant 0 : i32
        %dma_wait3A_54 = arith.constant 0 : i32
        %dma_wait3A_55 = tpu.memref_slice %arg8[%dma_wait3A_53, %dma_wait3A_54] : memref<10112x128xf32, #tpu.memory_space<vmem_shared>> -> memref<10112x128xf32, #tpu.memory_space<vmem_shared>>
        tpu.wait_indirect_dma semaphore(%run_scoped3A : memref<!tpu.dma_semaphore, #tpu.memory_space<semaphore_mem>>) src(%arg7 : memref<128x128xf32, #tpu.memory_space<vmem>>) dst(%dma_wait3A_55 : memref<10112x128xf32, #tpu.memory_space<vmem_shared>>)
        tpu.yield
      }) : () -> ()
      %scan3A_43 = arith.constant 0 : i32
      scf.yield %scan3A_43 : i32
    }
    %scan3A_32 = arith.constant 79 : i32
    %barrier3A_33 = arith.constant 0 : index
    tpu.barrier barrier_id(%barrier3A_33)
    %mul3A_34 = arith.constant 632 : i32
    %mul3A_35 = arith.muli %arg1, %mul3A_34 : i32
    %mul3A_36 = arith.constant 10112 : i32
    %mul3A_37 = arith.muli %arg0, %mul3A_36 : i32
    %mul3A_38 = arith.constant 632 : i32
    %mul3A_39 = arith.muli %arg1, %mul3A_38 : i32
    %add3A_40 = arith.addi %mul3A_37, %mul3A_39 : i32
    "tpu.region"() ({
      %run_scoped3A = tpu.sem_alloc : memref<!tpu.dma_semaphore, #tpu.memory_space<semaphore_mem>>
      %dma_start3A_41 = arith.constant 0 : i32
      %dma_start3A_42 = tpu.memref_slice %arg5[%add3A_40, %dma_start3A_41] : memref<20224x128xf32, #tpu.memory_space<hbm>> -> memref<632x128xf32, #tpu.memory_space<hbm>>
      %dma_start3A_43 = arith.constant 0 : i32
      %dma_start3A_44 = tpu.memref_slice %arg8[%mul3A_35, %dma_start3A_43] : memref<10112x128xf32, #tpu.memory_space<vmem_shared>> -> memref<632x128xf32, #tpu.memory_space<vmem_shared>>
      tpu.enqueue_dma source(%dma_start3A_44 : memref<632x128xf32, #tpu.memory_space<vmem_shared>>) target(%dma_start3A_42 : memref<632x128xf32, #tpu.memory_space<hbm>>) target_semaphore(%run_scoped3A : memref<!tpu.dma_semaphore, #tpu.memory_space<semaphore_mem>>)
      %dma_wait3A_45 = arith.constant 0 : i32
      %dma_wait3A_46 = tpu.memref_slice %arg5[%add3A_40, %dma_wait3A_45] : memref<20224x128xf32, #tpu.memory_space<hbm>> -> memref<632x128xf32, #tpu.memory_space<hbm>>
      %dma_wait3A_47 = arith.constant 0 : i32
      %dma_wait3A_48 = tpu.memref_slice %arg8[%mul3A_35, %dma_wait3A_47] : memref<10112x128xf32, #tpu.memory_space<vmem_shared>> -> memref<632x128xf32, #tpu.memory_space<vmem_shared>>
      tpu.wait_dma2 semaphore(%run_scoped3A : memref<!tpu.dma_semaphore, #tpu.memory_space<semaphore_mem>>) src(%dma_wait3A_48 : memref<632x128xf32, #tpu.memory_space<vmem_shared>>) dst(%dma_wait3A_46 : memref<632x128xf32, #tpu.memory_space<hbm>>)
      tpu.yield
    }) : () -> ()
    return
  }
}

#map = affine_map<(d0, d1) -> (0, 0, 0)>
#map1 = affine_map<(d0, d1) -> (0, 0)>
module attributes {stable_mosaic.version = 14 : i64} {
  func.func @_scatter_body(%arg0: i32, %arg1: i32, %arg2: memref<32x79x128xi32, #tpu.memory_space<hbm>>, %arg3: memref<32x79x128xi32, #tpu.memory_space<hbm>>, %arg4: memref<10112x128xf32, #tpu.memory_space<hbm>>, %arg5: memref<10112x128xf32, #tpu.memory_space<hbm>>, %arg6: memref<20224x128xf32, #tpu.memory_space<hbm>>, %arg7: memref<79x128xi32, #tpu.memory_space<vmem>>, %arg8: memref<79x128xi32, #tpu.memory_space<vmem>>, %arg9: memref<128x128xf32, #tpu.memory_space<vmem>>, %arg10: memref<10112x128xf32, #tpu.memory_space<vmem_shared>>, %arg11: memref<!tpu.dma_semaphore, #tpu.memory_space<semaphore_mem>>, %arg12: memref<!tpu.dma_semaphore, #tpu.memory_space<semaphore_mem>>) attributes {dimension_semantics = [#tpu.dimension_semantics<core_parallel>, #tpu.dimension_semantics<subcore_parallel>], iteration_bounds = array<i64: 2, 16>, scalar_prefetch = 0 : i64, scratch_operands = 6 : i64, tpu.core_type = #tpu.core_type<sc_vector_subcore>, window_params = [{transform_indices = #map}, {transform_indices = #map}, {transform_indices = #map1}, {transform_indices = #map1}, {transform_indices = #map1}]} {
    %mul3A = arith.constant 16 : i32
    %mul3A_0 = arith.muli %arg0, %mul3A : i32
    %add3A = arith.addi %mul3A_0, %arg1 : i32
    %mul3A_1 = arith.constant 632 : i32
    %mul3A_2 = arith.muli %arg1, %mul3A_1 : i32
    %mul3A_3 = arith.constant 632 : i32
    %mul3A_4 = arith.muli %arg1, %mul3A_3 : i32
    %dma_start3A = arith.constant 0 : i32
    %dma_start3A_5 = tpu.memref_slice %arg10[%mul3A_4, %dma_start3A] : memref<10112x128xf32, #tpu.memory_space<vmem_shared>> -> memref<632x128xf32, #tpu.memory_space<vmem_shared>>
    %dma_start3A_6 = arith.constant 0 : i32
    %dma_start3A_7 = tpu.memref_slice %arg5[%mul3A_2, %dma_start3A_6] : memref<10112x128xf32, #tpu.memory_space<hbm>> -> memref<632x128xf32, #tpu.memory_space<hbm>>
    tpu.enqueue_dma source(%dma_start3A_7 : memref<632x128xf32, #tpu.memory_space<hbm>>) target(%dma_start3A_5 : memref<632x128xf32, #tpu.memory_space<vmem_shared>>) target_semaphore(%arg11 : memref<!tpu.dma_semaphore, #tpu.memory_space<semaphore_mem>>)
    %dma_start3A_8 = arith.constant 0 : i32
    %dma_start3A_9 = arith.constant 0 : i32
    %dma_start3A_10 = tpu.memref_slice %arg2[%add3A, %dma_start3A_8, %dma_start3A_9] : memref<32x79x128xi32, #tpu.memory_space<hbm>> -> memref<1x79x128xi32, #tpu.memory_space<hbm>>
    %dma_start3A_11 = tpu.memref_squeeze %dma_start3A_10 : memref<1x79x128xi32, #tpu.memory_space<hbm>> -> memref<79x128xi32, #tpu.memory_space<hbm>>
    %dma_start3A_12 = arith.constant 0 : i32
    %dma_start3A_13 = arith.constant 0 : i32
    %dma_start3A_14 = tpu.memref_slice %arg2[%add3A, %dma_start3A_12, %dma_start3A_13] : memref<32x79x128xi32, #tpu.memory_space<hbm>> -> memref<1x79x128xi32, #tpu.memory_space<hbm>>
    %dma_start3A_15 = tpu.memref_squeeze %dma_start3A_14 : memref<1x79x128xi32, #tpu.memory_space<hbm>> -> memref<79x128xi32, #tpu.memory_space<hbm>>
    tpu.enqueue_dma source(%dma_start3A_15 : memref<79x128xi32, #tpu.memory_space<hbm>>) target(%arg7 : memref<79x128xi32, #tpu.memory_space<vmem>>) target_semaphore(%arg12 : memref<!tpu.dma_semaphore, #tpu.memory_space<semaphore_mem>>)
    %dma_start3A_16 = arith.constant 0 : i32
    %dma_start3A_17 = arith.constant 0 : i32
    %dma_start3A_18 = tpu.memref_slice %arg3[%add3A, %dma_start3A_16, %dma_start3A_17] : memref<32x79x128xi32, #tpu.memory_space<hbm>> -> memref<1x79x128xi32, #tpu.memory_space<hbm>>
    %dma_start3A_19 = tpu.memref_squeeze %dma_start3A_18 : memref<1x79x128xi32, #tpu.memory_space<hbm>> -> memref<79x128xi32, #tpu.memory_space<hbm>>
    %dma_start3A_20 = arith.constant 0 : i32
    %dma_start3A_21 = arith.constant 0 : i32
    %dma_start3A_22 = tpu.memref_slice %arg3[%add3A, %dma_start3A_20, %dma_start3A_21] : memref<32x79x128xi32, #tpu.memory_space<hbm>> -> memref<1x79x128xi32, #tpu.memory_space<hbm>>
    %dma_start3A_23 = tpu.memref_squeeze %dma_start3A_22 : memref<1x79x128xi32, #tpu.memory_space<hbm>> -> memref<79x128xi32, #tpu.memory_space<hbm>>
    tpu.enqueue_dma source(%dma_start3A_23 : memref<79x128xi32, #tpu.memory_space<hbm>>) target(%arg8 : memref<79x128xi32, #tpu.memory_space<vmem>>) target_semaphore(%arg11 : memref<!tpu.dma_semaphore, #tpu.memory_space<semaphore_mem>>)
    %dma_wait3A = arith.constant 0 : i32
    %dma_wait3A_24 = arith.constant 0 : i32
    %dma_wait3A_25 = tpu.memref_slice %arg2[%add3A, %dma_wait3A, %dma_wait3A_24] : memref<32x79x128xi32, #tpu.memory_space<hbm>> -> memref<1x79x128xi32, #tpu.memory_space<hbm>>
    %dma_wait3A_26 = tpu.memref_squeeze %dma_wait3A_25 : memref<1x79x128xi32, #tpu.memory_space<hbm>> -> memref<79x128xi32, #tpu.memory_space<hbm>>
    %dma_wait3A_27 = arith.constant 0 : i32
    %dma_wait3A_28 = arith.constant 0 : i32
    %dma_wait3A_29 = tpu.memref_slice %arg2[%add3A, %dma_wait3A_27, %dma_wait3A_28] : memref<32x79x128xi32, #tpu.memory_space<hbm>> -> memref<1x79x128xi32, #tpu.memory_space<hbm>>
    %dma_wait3A_30 = tpu.memref_squeeze %dma_wait3A_29 : memref<1x79x128xi32, #tpu.memory_space<hbm>> -> memref<79x128xi32, #tpu.memory_space<hbm>>
    tpu.wait_dma2 semaphore(%arg12 : memref<!tpu.dma_semaphore, #tpu.memory_space<semaphore_mem>>) src(%dma_wait3A_30 : memref<79x128xi32, #tpu.memory_space<hbm>>) dst(%arg7 : memref<79x128xi32, #tpu.memory_space<vmem>>)
    %dma_start3A_31 = arith.constant 0 : i32
    %dma_start3A_32 = arith.constant 0 : i32
    %dma_start3A_33 = tpu.memref_slice %arg7[%dma_start3A_31, %dma_start3A_32] : memref<79x128xi32, #tpu.memory_space<vmem>> -> memref<1x128xi32, #tpu.memory_space<vmem>>
    %dma_start3A_34 = tpu.memref_squeeze %dma_start3A_33 : memref<1x128xi32, #tpu.memory_space<vmem>> -> memref<128xi32, #tpu.memory_space<vmem>>
    %dma_start3A_35 = arith.constant 0 : i32
    %dma_start3A_36 = arith.constant 0 : i32
    %dma_start3A_37 = tpu.memref_slice %arg4[%dma_start3A_35, %dma_start3A_36] : memref<10112x128xf32, #tpu.memory_space<hbm>> -> memref<10112x128xf32, #tpu.memory_space<hbm>>
    tpu.enqueue_indirect_dma source(%dma_start3A_37 : memref<10112x128xf32, #tpu.memory_space<hbm>>) target(%arg9 : memref<128x128xf32, #tpu.memory_space<vmem>>) offsets(%dma_start3A_34 : memref<128xi32, #tpu.memory_space<vmem>>) semaphore(%arg12 : memref<!tpu.dma_semaphore, #tpu.memory_space<semaphore_mem>>)
    %dma_wait3A_38 = arith.constant 0 : i32
    %dma_wait3A_39 = tpu.memref_slice %arg10[%mul3A_4, %dma_wait3A_38] : memref<10112x128xf32, #tpu.memory_space<vmem_shared>> -> memref<632x128xf32, #tpu.memory_space<vmem_shared>>
    %dma_wait3A_40 = arith.constant 0 : i32
    %dma_wait3A_41 = tpu.memref_slice %arg5[%mul3A_2, %dma_wait3A_40] : memref<10112x128xf32, #tpu.memory_space<hbm>> -> memref<632x128xf32, #tpu.memory_space<hbm>>
    tpu.wait_dma2 semaphore(%arg11 : memref<!tpu.dma_semaphore, #tpu.memory_space<semaphore_mem>>) src(%dma_wait3A_41 : memref<632x128xf32, #tpu.memory_space<hbm>>) dst(%dma_wait3A_39 : memref<632x128xf32, #tpu.memory_space<vmem_shared>>)
    %dma_wait3A_42 = arith.constant 0 : i32
    %dma_wait3A_43 = arith.constant 0 : i32
    %dma_wait3A_44 = tpu.memref_slice %arg3[%add3A, %dma_wait3A_42, %dma_wait3A_43] : memref<32x79x128xi32, #tpu.memory_space<hbm>> -> memref<1x79x128xi32, #tpu.memory_space<hbm>>
    %dma_wait3A_45 = tpu.memref_squeeze %dma_wait3A_44 : memref<1x79x128xi32, #tpu.memory_space<hbm>> -> memref<79x128xi32, #tpu.memory_space<hbm>>
    %dma_wait3A_46 = arith.constant 0 : i32
    %dma_wait3A_47 = arith.constant 0 : i32
    %dma_wait3A_48 = tpu.memref_slice %arg3[%add3A, %dma_wait3A_46, %dma_wait3A_47] : memref<32x79x128xi32, #tpu.memory_space<hbm>> -> memref<1x79x128xi32, #tpu.memory_space<hbm>>
    %dma_wait3A_49 = tpu.memref_squeeze %dma_wait3A_48 : memref<1x79x128xi32, #tpu.memory_space<hbm>> -> memref<79x128xi32, #tpu.memory_space<hbm>>
    tpu.wait_dma2 semaphore(%arg11 : memref<!tpu.dma_semaphore, #tpu.memory_space<semaphore_mem>>) src(%dma_wait3A_49 : memref<79x128xi32, #tpu.memory_space<hbm>>) dst(%arg8 : memref<79x128xi32, #tpu.memory_space<vmem>>)
    %barrier3A = arith.constant 0 : index
    tpu.barrier barrier_id(%barrier3A)
    %dma_wait3A_50 = arith.constant 0 : i32
    %dma_wait3A_51 = arith.constant 0 : i32
    %dma_wait3A_52 = tpu.memref_slice %arg7[%dma_wait3A_50, %dma_wait3A_51] : memref<79x128xi32, #tpu.memory_space<vmem>> -> memref<1x128xi32, #tpu.memory_space<vmem>>
    %dma_wait3A_53 = tpu.memref_squeeze %dma_wait3A_52 : memref<1x128xi32, #tpu.memory_space<vmem>> -> memref<128xi32, #tpu.memory_space<vmem>>
    %dma_wait3A_54 = arith.constant 0 : i32
    %dma_wait3A_55 = arith.constant 0 : i32
    %dma_wait3A_56 = tpu.memref_slice %arg4[%dma_wait3A_54, %dma_wait3A_55] : memref<10112x128xf32, #tpu.memory_space<hbm>> -> memref<10112x128xf32, #tpu.memory_space<hbm>>
    tpu.wait_indirect_dma semaphore(%arg12 : memref<!tpu.dma_semaphore, #tpu.memory_space<semaphore_mem>>) src(%dma_wait3A_56 : memref<10112x128xf32, #tpu.memory_space<hbm>>) dst(%arg9 : memref<128x128xf32, #tpu.memory_space<vmem>>)
    %run_scoped3A = arith.constant 0 : i32
    "tpu.region"() ({
      %run_scoped3A_71 = tpu.sem_alloc : memref<!tpu.dma_semaphore, #tpu.memory_space<semaphore_mem>>
      %dma_start3A_72 = arith.constant 0 : i32
      %dma_start3A_73 = tpu.memref_slice %arg8[%run_scoped3A, %dma_start3A_72] : memref<79x128xi32, #tpu.memory_space<vmem>> -> memref<1x128xi32, #tpu.memory_space<vmem>>
      %dma_start3A_74 = tpu.memref_squeeze %dma_start3A_73 : memref<1x128xi32, #tpu.memory_space<vmem>> -> memref<128xi32, #tpu.memory_space<vmem>>
      %dma_start3A_75 = arith.constant 0 : i32
      %dma_start3A_76 = arith.constant 0 : i32
      %dma_start3A_77 = tpu.memref_slice %arg10[%dma_start3A_75, %dma_start3A_76] : memref<10112x128xf32, #tpu.memory_space<vmem_shared>> -> memref<10112x128xf32, #tpu.memory_space<vmem_shared>>
      tpu.enqueue_indirect_dma source(%arg9 : memref<128x128xf32, #tpu.memory_space<vmem>>) target(%dma_start3A_77 : memref<10112x128xf32, #tpu.memory_space<vmem_shared>>) offsets(%dma_start3A_74 : memref<128xi32, #tpu.memory_space<vmem>>) semaphore(%run_scoped3A_71 : memref<!tpu.dma_semaphore, #tpu.memory_space<semaphore_mem>>) {add = true}
      %dma_wait3A_78 = arith.constant 0 : i32
      %dma_wait3A_79 = tpu.memref_slice %arg8[%run_scoped3A, %dma_wait3A_78] : memref<79x128xi32, #tpu.memory_space<vmem>> -> memref<1x128xi32, #tpu.memory_space<vmem>>
      %dma_wait3A_80 = tpu.memref_squeeze %dma_wait3A_79 : memref<1x128xi32, #tpu.memory_space<vmem>> -> memref<128xi32, #tpu.memory_space<vmem>>
      %dma_wait3A_81 = arith.constant 0 : i32
      %dma_wait3A_82 = arith.constant 0 : i32
      %dma_wait3A_83 = tpu.memref_slice %arg10[%dma_wait3A_81, %dma_wait3A_82] : memref<10112x128xf32, #tpu.memory_space<vmem_shared>> -> memref<10112x128xf32, #tpu.memory_space<vmem_shared>>
      tpu.wait_indirect_dma semaphore(%run_scoped3A_71 : memref<!tpu.dma_semaphore, #tpu.memory_space<semaphore_mem>>) src(%arg9 : memref<128x128xf32, #tpu.memory_space<vmem>>) dst(%dma_wait3A_83 : memref<10112x128xf32, #tpu.memory_space<vmem_shared>>)
      tpu.yield
    }) : () -> ()
    %scan3A = arith.constant 0 : i32
    %scan3A_57 = arith.constant 1 : i32
    %scan3A_58 = arith.constant 78 : i32
    %scan3A_59 = arith.addi %scan3A_57, %scan3A_58 : i32
    %scan3A_60 = arith.constant 1 : i32
    %scan3A_61 = scf.for %scan3A_71 = %scan3A_57 to %scan3A_59 step %scan3A_60 iter_args(%scan3A_72 = %scan3A) -> (i32)  : i32 {
      %dma_start3A_73 = arith.constant 0 : i32
      %dma_start3A_74 = tpu.memref_slice %arg7[%scan3A_71, %dma_start3A_73] : memref<79x128xi32, #tpu.memory_space<vmem>> -> memref<1x128xi32, #tpu.memory_space<vmem>>
      %dma_start3A_75 = tpu.memref_squeeze %dma_start3A_74 : memref<1x128xi32, #tpu.memory_space<vmem>> -> memref<128xi32, #tpu.memory_space<vmem>>
      %dma_start3A_76 = arith.constant 0 : i32
      %dma_start3A_77 = arith.constant 0 : i32
      %dma_start3A_78 = tpu.memref_slice %arg4[%dma_start3A_76, %dma_start3A_77] : memref<10112x128xf32, #tpu.memory_space<hbm>> -> memref<10112x128xf32, #tpu.memory_space<hbm>>
      tpu.enqueue_indirect_dma source(%dma_start3A_78 : memref<10112x128xf32, #tpu.memory_space<hbm>>) target(%arg9 : memref<128x128xf32, #tpu.memory_space<vmem>>) offsets(%dma_start3A_75 : memref<128xi32, #tpu.memory_space<vmem>>) semaphore(%arg11 : memref<!tpu.dma_semaphore, #tpu.memory_space<semaphore_mem>>)
      %dma_wait3A_79 = arith.constant 0 : i32
      %dma_wait3A_80 = tpu.memref_slice %arg7[%scan3A_71, %dma_wait3A_79] : memref<79x128xi32, #tpu.memory_space<vmem>> -> memref<1x128xi32, #tpu.memory_space<vmem>>
      %dma_wait3A_81 = tpu.memref_squeeze %dma_wait3A_80 : memref<1x128xi32, #tpu.memory_space<vmem>> -> memref<128xi32, #tpu.memory_space<vmem>>
      %dma_wait3A_82 = arith.constant 0 : i32
      %dma_wait3A_83 = arith.constant 0 : i32
      %dma_wait3A_84 = tpu.memref_slice %arg4[%dma_wait3A_82, %dma_wait3A_83] : memref<10112x128xf32, #tpu.memory_space<hbm>> -> memref<10112x128xf32, #tpu.memory_space<hbm>>
      tpu.wait_indirect_dma semaphore(%arg11 : memref<!tpu.dma_semaphore, #tpu.memory_space<semaphore_mem>>) src(%dma_wait3A_84 : memref<10112x128xf32, #tpu.memory_space<hbm>>) dst(%arg9 : memref<128x128xf32, #tpu.memory_space<vmem>>)
      "tpu.region"() ({
        %run_scoped3A_86 = tpu.sem_alloc : memref<!tpu.dma_semaphore, #tpu.memory_space<semaphore_mem>>
        %dma_start3A_87 = arith.constant 0 : i32
        %dma_start3A_88 = tpu.memref_slice %arg8[%scan3A_71, %dma_start3A_87] : memref<79x128xi32, #tpu.memory_space<vmem>> -> memref<1x128xi32, #tpu.memory_space<vmem>>
        %dma_start3A_89 = tpu.memref_squeeze %dma_start3A_88 : memref<1x128xi32, #tpu.memory_space<vmem>> -> memref<128xi32, #tpu.memory_space<vmem>>
        %dma_start3A_90 = arith.constant 0 : i32
        %dma_start3A_91 = arith.constant 0 : i32
        %dma_start3A_92 = tpu.memref_slice %arg10[%dma_start3A_90, %dma_start3A_91] : memref<10112x128xf32, #tpu.memory_space<vmem_shared>> -> memref<10112x128xf32, #tpu.memory_space<vmem_shared>>
        tpu.enqueue_indirect_dma source(%arg9 : memref<128x128xf32, #tpu.memory_space<vmem>>) target(%dma_start3A_92 : memref<10112x128xf32, #tpu.memory_space<vmem_shared>>) offsets(%dma_start3A_89 : memref<128xi32, #tpu.memory_space<vmem>>) semaphore(%run_scoped3A_86 : memref<!tpu.dma_semaphore, #tpu.memory_space<semaphore_mem>>) {add = true}
        %dma_wait3A_93 = arith.constant 0 : i32
        %dma_wait3A_94 = tpu.memref_slice %arg8[%scan3A_71, %dma_wait3A_93] : memref<79x128xi32, #tpu.memory_space<vmem>> -> memref<1x128xi32, #tpu.memory_space<vmem>>
        %dma_wait3A_95 = tpu.memref_squeeze %dma_wait3A_94 : memref<1x128xi32, #tpu.memory_space<vmem>> -> memref<128xi32, #tpu.memory_space<vmem>>
        %dma_wait3A_96 = arith.constant 0 : i32
        %dma_wait3A_97 = arith.constant 0 : i32
        %dma_wait3A_98 = tpu.memref_slice %arg10[%dma_wait3A_96, %dma_wait3A_97] : memref<10112x128xf32, #tpu.memory_space<vmem_shared>> -> memref<10112x128xf32, #tpu.memory_space<vmem_shared>>
        tpu.wait_indirect_dma semaphore(%run_scoped3A_86 : memref<!tpu.dma_semaphore, #tpu.memory_space<semaphore_mem>>) src(%arg9 : memref<128x128xf32, #tpu.memory_space<vmem>>) dst(%dma_wait3A_98 : memref<10112x128xf32, #tpu.memory_space<vmem_shared>>)
        tpu.yield
      }) : () -> ()
      %scan3A_85 = arith.constant 0 : i32
      scf.yield %scan3A_85 : i32
    }
    %scan3A_62 = arith.constant 78 : i32
    %barrier3A_63 = arith.constant 0 : index
    tpu.barrier barrier_id(%barrier3A_63)
    %mul3A_64 = arith.constant 632 : i32
    %mul3A_65 = arith.muli %arg1, %mul3A_64 : i32
    %mul3A_66 = arith.constant 10112 : i32
    %mul3A_67 = arith.muli %arg0, %mul3A_66 : i32
    %mul3A_68 = arith.constant 632 : i32
    %mul3A_69 = arith.muli %arg1, %mul3A_68 : i32
    %add3A_70 = arith.addi %mul3A_67, %mul3A_69 : i32
    "tpu.region"() ({
      %run_scoped3A_71 = tpu.sem_alloc : memref<!tpu.dma_semaphore, #tpu.memory_space<semaphore_mem>>
      %dma_start3A_72 = arith.constant 0 : i32
      %dma_start3A_73 = tpu.memref_slice %arg6[%add3A_70, %dma_start3A_72] : memref<20224x128xf32, #tpu.memory_space<hbm>> -> memref<632x128xf32, #tpu.memory_space<hbm>>
      %dma_start3A_74 = arith.constant 0 : i32
      %dma_start3A_75 = tpu.memref_slice %arg10[%mul3A_65, %dma_start3A_74] : memref<10112x128xf32, #tpu.memory_space<vmem_shared>> -> memref<632x128xf32, #tpu.memory_space<vmem_shared>>
      tpu.enqueue_dma source(%dma_start3A_75 : memref<632x128xf32, #tpu.memory_space<vmem_shared>>) target(%dma_start3A_73 : memref<632x128xf32, #tpu.memory_space<hbm>>) target_semaphore(%run_scoped3A_71 : memref<!tpu.dma_semaphore, #tpu.memory_space<semaphore_mem>>)
      %dma_wait3A_76 = arith.constant 0 : i32
      %dma_wait3A_77 = tpu.memref_slice %arg6[%add3A_70, %dma_wait3A_76] : memref<20224x128xf32, #tpu.memory_space<hbm>> -> memref<632x128xf32, #tpu.memory_space<hbm>>
      %dma_wait3A_78 = arith.constant 0 : i32
      %dma_wait3A_79 = tpu.memref_slice %arg10[%mul3A_65, %dma_wait3A_78] : memref<10112x128xf32, #tpu.memory_space<vmem_shared>> -> memref<632x128xf32, #tpu.memory_space<vmem_shared>>
      tpu.wait_dma2 semaphore(%run_scoped3A_71 : memref<!tpu.dma_semaphore, #tpu.memory_space<semaphore_mem>>) src(%dma_wait3A_79 : memref<632x128xf32, #tpu.memory_space<vmem_shared>>) dst(%dma_wait3A_77 : memref<632x128xf32, #tpu.memory_space<hbm>>)
      tpu.yield
    }) : () -> ()
    return
  }
}

#map = affine_map<(d0, d1) -> (0, 0, 0)>
#map1 = affine_map<(d0, d1) -> (0, 0)>
module attributes {stable_mosaic.version = 14 : i64} {
  func.func @_scatter_body(%arg0: i32, %arg1: i32, %arg2: memref<32x79x128xi32, #tpu.memory_space<hbm>>, %arg3: memref<32x79x128xi32, #tpu.memory_space<hbm>>, %arg4: memref<10112x128xf32, #tpu.memory_space<hbm>>, %arg5: memref<10112x128xf32, #tpu.memory_space<hbm>>, %arg6: memref<20224x128xf32, #tpu.memory_space<hbm>>, %arg7: memref<79x128xi32, #tpu.memory_space<vmem>>, %arg8: memref<79x128xi32, #tpu.memory_space<vmem>>, %arg9: memref<128x128xf32, #tpu.memory_space<vmem>>, %arg10: memref<10112x128xf32, #tpu.memory_space<vmem_shared>>, %arg11: memref<!tpu.dma_semaphore, #tpu.memory_space<semaphore_mem>>, %arg12: memref<!tpu.dma_semaphore, #tpu.memory_space<semaphore_mem>>) attributes {dimension_semantics = [#tpu.dimension_semantics<core_parallel>, #tpu.dimension_semantics<subcore_parallel>], iteration_bounds = array<i64: 2, 16>, scalar_prefetch = 0 : i64, scratch_operands = 6 : i64, tpu.core_type = #tpu.core_type<sc_vector_subcore>, window_params = [{transform_indices = #map}, {transform_indices = #map}, {transform_indices = #map1}, {transform_indices = #map1}, {transform_indices = #map1}]} {
    %mul3A = arith.constant 16 : i32
    %mul3A_0 = arith.muli %arg0, %mul3A : i32
    %add3A = arith.addi %mul3A_0, %arg1 : i32
    %mul3A_1 = arith.constant 632 : i32
    %mul3A_2 = arith.muli %arg1, %mul3A_1 : i32
    %mul3A_3 = arith.constant 632 : i32
    %mul3A_4 = arith.muli %arg1, %mul3A_3 : i32
    %dma_start3A = arith.constant 0 : i32
    %dma_start3A_5 = tpu.memref_slice %arg10[%mul3A_4, %dma_start3A] : memref<10112x128xf32, #tpu.memory_space<vmem_shared>> -> memref<632x128xf32, #tpu.memory_space<vmem_shared>>
    %dma_start3A_6 = arith.constant 0 : i32
    %dma_start3A_7 = tpu.memref_slice %arg5[%mul3A_2, %dma_start3A_6] : memref<10112x128xf32, #tpu.memory_space<hbm>> -> memref<632x128xf32, #tpu.memory_space<hbm>>
    tpu.enqueue_dma source(%dma_start3A_7 : memref<632x128xf32, #tpu.memory_space<hbm>>) target(%dma_start3A_5 : memref<632x128xf32, #tpu.memory_space<vmem_shared>>) target_semaphore(%arg11 : memref<!tpu.dma_semaphore, #tpu.memory_space<semaphore_mem>>)
    %dma_start3A_8 = arith.constant 0 : i32
    %dma_start3A_9 = arith.constant 0 : i32
    %dma_start3A_10 = tpu.memref_slice %arg2[%add3A, %dma_start3A_8, %dma_start3A_9] : memref<32x79x128xi32, #tpu.memory_space<hbm>> -> memref<1x79x128xi32, #tpu.memory_space<hbm>>
    %dma_start3A_11 = tpu.memref_squeeze %dma_start3A_10 : memref<1x79x128xi32, #tpu.memory_space<hbm>> -> memref<79x128xi32, #tpu.memory_space<hbm>>
    %dma_start3A_12 = arith.constant 0 : i32
    %dma_start3A_13 = arith.constant 0 : i32
    %dma_start3A_14 = tpu.memref_slice %arg2[%add3A, %dma_start3A_12, %dma_start3A_13] : memref<32x79x128xi32, #tpu.memory_space<hbm>> -> memref<1x79x128xi32, #tpu.memory_space<hbm>>
    %dma_start3A_15 = tpu.memref_squeeze %dma_start3A_14 : memref<1x79x128xi32, #tpu.memory_space<hbm>> -> memref<79x128xi32, #tpu.memory_space<hbm>>
    tpu.enqueue_dma source(%dma_start3A_15 : memref<79x128xi32, #tpu.memory_space<hbm>>) target(%arg7 : memref<79x128xi32, #tpu.memory_space<vmem>>) target_semaphore(%arg12 : memref<!tpu.dma_semaphore, #tpu.memory_space<semaphore_mem>>)
    %dma_start3A_16 = arith.constant 0 : i32
    %dma_start3A_17 = arith.constant 0 : i32
    %dma_start3A_18 = tpu.memref_slice %arg3[%add3A, %dma_start3A_16, %dma_start3A_17] : memref<32x79x128xi32, #tpu.memory_space<hbm>> -> memref<1x79x128xi32, #tpu.memory_space<hbm>>
    %dma_start3A_19 = tpu.memref_squeeze %dma_start3A_18 : memref<1x79x128xi32, #tpu.memory_space<hbm>> -> memref<79x128xi32, #tpu.memory_space<hbm>>
    %dma_start3A_20 = arith.constant 0 : i32
    %dma_start3A_21 = arith.constant 0 : i32
    %dma_start3A_22 = tpu.memref_slice %arg3[%add3A, %dma_start3A_20, %dma_start3A_21] : memref<32x79x128xi32, #tpu.memory_space<hbm>> -> memref<1x79x128xi32, #tpu.memory_space<hbm>>
    %dma_start3A_23 = tpu.memref_squeeze %dma_start3A_22 : memref<1x79x128xi32, #tpu.memory_space<hbm>> -> memref<79x128xi32, #tpu.memory_space<hbm>>
    tpu.enqueue_dma source(%dma_start3A_23 : memref<79x128xi32, #tpu.memory_space<hbm>>) target(%arg8 : memref<79x128xi32, #tpu.memory_space<vmem>>) target_semaphore(%arg11 : memref<!tpu.dma_semaphore, #tpu.memory_space<semaphore_mem>>)
    %dma_wait3A = arith.constant 0 : i32
    %dma_wait3A_24 = arith.constant 0 : i32
    %dma_wait3A_25 = tpu.memref_slice %arg2[%add3A, %dma_wait3A, %dma_wait3A_24] : memref<32x79x128xi32, #tpu.memory_space<hbm>> -> memref<1x79x128xi32, #tpu.memory_space<hbm>>
    %dma_wait3A_26 = tpu.memref_squeeze %dma_wait3A_25 : memref<1x79x128xi32, #tpu.memory_space<hbm>> -> memref<79x128xi32, #tpu.memory_space<hbm>>
    %dma_wait3A_27 = arith.constant 0 : i32
    %dma_wait3A_28 = arith.constant 0 : i32
    %dma_wait3A_29 = tpu.memref_slice %arg2[%add3A, %dma_wait3A_27, %dma_wait3A_28] : memref<32x79x128xi32, #tpu.memory_space<hbm>> -> memref<1x79x128xi32, #tpu.memory_space<hbm>>
    %dma_wait3A_30 = tpu.memref_squeeze %dma_wait3A_29 : memref<1x79x128xi32, #tpu.memory_space<hbm>> -> memref<79x128xi32, #tpu.memory_space<hbm>>
    tpu.wait_dma2 semaphore(%arg12 : memref<!tpu.dma_semaphore, #tpu.memory_space<semaphore_mem>>) src(%dma_wait3A_30 : memref<79x128xi32, #tpu.memory_space<hbm>>) dst(%arg7 : memref<79x128xi32, #tpu.memory_space<vmem>>)
    %dma_start3A_31 = arith.constant 0 : i32
    %dma_start3A_32 = arith.constant 0 : i32
    %dma_start3A_33 = tpu.memref_slice %arg7[%dma_start3A_31, %dma_start3A_32] : memref<79x128xi32, #tpu.memory_space<vmem>> -> memref<1x128xi32, #tpu.memory_space<vmem>>
    %dma_start3A_34 = tpu.memref_squeeze %dma_start3A_33 : memref<1x128xi32, #tpu.memory_space<vmem>> -> memref<128xi32, #tpu.memory_space<vmem>>
    %dma_start3A_35 = arith.constant 0 : i32
    %dma_start3A_36 = arith.constant 0 : i32
    %dma_start3A_37 = tpu.memref_slice %arg4[%dma_start3A_35, %dma_start3A_36] : memref<10112x128xf32, #tpu.memory_space<hbm>> -> memref<10112x128xf32, #tpu.memory_space<hbm>>
    tpu.enqueue_indirect_dma source(%dma_start3A_37 : memref<10112x128xf32, #tpu.memory_space<hbm>>) target(%arg9 : memref<128x128xf32, #tpu.memory_space<vmem>>) offsets(%dma_start3A_34 : memref<128xi32, #tpu.memory_space<vmem>>) semaphore(%arg12 : memref<!tpu.dma_semaphore, #tpu.memory_space<semaphore_mem>>)
    %dma_wait3A_38 = arith.constant 0 : i32
    %dma_wait3A_39 = tpu.memref_slice %arg10[%mul3A_4, %dma_wait3A_38] : memref<10112x128xf32, #tpu.memory_space<vmem_shared>> -> memref<632x128xf32, #tpu.memory_space<vmem_shared>>
    %dma_wait3A_40 = arith.constant 0 : i32
    %dma_wait3A_41 = tpu.memref_slice %arg5[%mul3A_2, %dma_wait3A_40] : memref<10112x128xf32, #tpu.memory_space<hbm>> -> memref<632x128xf32, #tpu.memory_space<hbm>>
    tpu.wait_dma2 semaphore(%arg11 : memref<!tpu.dma_semaphore, #tpu.memory_space<semaphore_mem>>) src(%dma_wait3A_41 : memref<632x128xf32, #tpu.memory_space<hbm>>) dst(%dma_wait3A_39 : memref<632x128xf32, #tpu.memory_space<vmem_shared>>)
    %dma_wait3A_42 = arith.constant 0 : i32
    %dma_wait3A_43 = arith.constant 0 : i32
    %dma_wait3A_44 = tpu.memref_slice %arg3[%add3A, %dma_wait3A_42, %dma_wait3A_43] : memref<32x79x128xi32, #tpu.memory_space<hbm>> -> memref<1x79x128xi32, #tpu.memory_space<hbm>>
    %dma_wait3A_45 = tpu.memref_squeeze %dma_wait3A_44 : memref<1x79x128xi32, #tpu.memory_space<hbm>> -> memref<79x128xi32, #tpu.memory_space<hbm>>
    %dma_wait3A_46 = arith.constant 0 : i32
    %dma_wait3A_47 = arith.constant 0 : i32
    %dma_wait3A_48 = tpu.memref_slice %arg3[%add3A, %dma_wait3A_46, %dma_wait3A_47] : memref<32x79x128xi32, #tpu.memory_space<hbm>> -> memref<1x79x128xi32, #tpu.memory_space<hbm>>
    %dma_wait3A_49 = tpu.memref_squeeze %dma_wait3A_48 : memref<1x79x128xi32, #tpu.memory_space<hbm>> -> memref<79x128xi32, #tpu.memory_space<hbm>>
    tpu.wait_dma2 semaphore(%arg11 : memref<!tpu.dma_semaphore, #tpu.memory_space<semaphore_mem>>) src(%dma_wait3A_49 : memref<79x128xi32, #tpu.memory_space<hbm>>) dst(%arg8 : memref<79x128xi32, #tpu.memory_space<vmem>>)
    %barrier3A = arith.constant 0 : index
    tpu.barrier barrier_id(%barrier3A)
    %dma_wait3A_50 = arith.constant 0 : i32
    %dma_wait3A_51 = arith.constant 0 : i32
    %dma_wait3A_52 = tpu.memref_slice %arg7[%dma_wait3A_50, %dma_wait3A_51] : memref<79x128xi32, #tpu.memory_space<vmem>> -> memref<1x128xi32, #tpu.memory_space<vmem>>
    %dma_wait3A_53 = tpu.memref_squeeze %dma_wait3A_52 : memref<1x128xi32, #tpu.memory_space<vmem>> -> memref<128xi32, #tpu.memory_space<vmem>>
    %dma_wait3A_54 = arith.constant 0 : i32
    %dma_wait3A_55 = arith.constant 0 : i32
    %dma_wait3A_56 = tpu.memref_slice %arg4[%dma_wait3A_54, %dma_wait3A_55] : memref<10112x128xf32, #tpu.memory_space<hbm>> -> memref<10112x128xf32, #tpu.memory_space<hbm>>
    tpu.wait_indirect_dma semaphore(%arg12 : memref<!tpu.dma_semaphore, #tpu.memory_space<semaphore_mem>>) src(%dma_wait3A_56 : memref<10112x128xf32, #tpu.memory_space<hbm>>) dst(%arg9 : memref<128x128xf32, #tpu.memory_space<vmem>>)
    %run_scoped3A = arith.constant 0 : i32
    "tpu.region"() ({
      %run_scoped3A_71 = tpu.sem_alloc : memref<!tpu.dma_semaphore, #tpu.memory_space<semaphore_mem>>
      %dma_start3A_72 = arith.constant 0 : i32
      %dma_start3A_73 = tpu.memref_slice %arg8[%run_scoped3A, %dma_start3A_72] : memref<79x128xi32, #tpu.memory_space<vmem>> -> memref<1x128xi32, #tpu.memory_space<vmem>>
      %dma_start3A_74 = tpu.memref_squeeze %dma_start3A_73 : memref<1x128xi32, #tpu.memory_space<vmem>> -> memref<128xi32, #tpu.memory_space<vmem>>
      %dma_start3A_75 = arith.constant 0 : i32
      %dma_start3A_76 = arith.constant 0 : i32
      %dma_start3A_77 = tpu.memref_slice %arg10[%dma_start3A_75, %dma_start3A_76] : memref<10112x128xf32, #tpu.memory_space<vmem_shared>> -> memref<10112x128xf32, #tpu.memory_space<vmem_shared>>
      tpu.enqueue_indirect_dma source(%arg9 : memref<128x128xf32, #tpu.memory_space<vmem>>) target(%dma_start3A_77 : memref<10112x128xf32, #tpu.memory_space<vmem_shared>>) offsets(%dma_start3A_74 : memref<128xi32, #tpu.memory_space<vmem>>) semaphore(%run_scoped3A_71 : memref<!tpu.dma_semaphore, #tpu.memory_space<semaphore_mem>>) {add = true}
      %dma_wait3A_78 = arith.constant 0 : i32
      %dma_wait3A_79 = tpu.memref_slice %arg8[%run_scoped3A, %dma_wait3A_78] : memref<79x128xi32, #tpu.memory_space<vmem>> -> memref<1x128xi32, #tpu.memory_space<vmem>>
      %dma_wait3A_80 = tpu.memref_squeeze %dma_wait3A_79 : memref<1x128xi32, #tpu.memory_space<vmem>> -> memref<128xi32, #tpu.memory_space<vmem>>
      %dma_wait3A_81 = arith.constant 0 : i32
      %dma_wait3A_82 = arith.constant 0 : i32
      %dma_wait3A_83 = tpu.memref_slice %arg10[%dma_wait3A_81, %dma_wait3A_82] : memref<10112x128xf32, #tpu.memory_space<vmem_shared>> -> memref<10112x128xf32, #tpu.memory_space<vmem_shared>>
      tpu.wait_indirect_dma semaphore(%run_scoped3A_71 : memref<!tpu.dma_semaphore, #tpu.memory_space<semaphore_mem>>) src(%arg9 : memref<128x128xf32, #tpu.memory_space<vmem>>) dst(%dma_wait3A_83 : memref<10112x128xf32, #tpu.memory_space<vmem_shared>>)
      tpu.yield
    }) : () -> ()
    %scan3A = arith.constant 0 : i32
    %scan3A_57 = arith.constant 1 : i32
    %scan3A_58 = arith.constant 78 : i32
    %scan3A_59 = arith.addi %scan3A_57, %scan3A_58 : i32
    %scan3A_60 = arith.constant 1 : i32
    %scan3A_61 = scf.for %scan3A_71 = %scan3A_57 to %scan3A_59 step %scan3A_60 iter_args(%scan3A_72 = %scan3A) -> (i32)  : i32 {
      %dma_start3A_73 = arith.constant 0 : i32
      %dma_start3A_74 = tpu.memref_slice %arg7[%scan3A_71, %dma_start3A_73] : memref<79x128xi32, #tpu.memory_space<vmem>> -> memref<1x128xi32, #tpu.memory_space<vmem>>
      %dma_start3A_75 = tpu.memref_squeeze %dma_start3A_74 : memref<1x128xi32, #tpu.memory_space<vmem>> -> memref<128xi32, #tpu.memory_space<vmem>>
      %dma_start3A_76 = arith.constant 0 : i32
      %dma_start3A_77 = arith.constant 0 : i32
      %dma_start3A_78 = tpu.memref_slice %arg4[%dma_start3A_76, %dma_start3A_77] : memref<10112x128xf32, #tpu.memory_space<hbm>> -> memref<10112x128xf32, #tpu.memory_space<hbm>>
      tpu.enqueue_indirect_dma source(%dma_start3A_78 : memref<10112x128xf32, #tpu.memory_space<hbm>>) target(%arg9 : memref<128x128xf32, #tpu.memory_space<vmem>>) offsets(%dma_start3A_75 : memref<128xi32, #tpu.memory_space<vmem>>) semaphore(%arg11 : memref<!tpu.dma_semaphore, #tpu.memory_space<semaphore_mem>>)
      %dma_wait3A_79 = arith.constant 0 : i32
      %dma_wait3A_80 = tpu.memref_slice %arg7[%scan3A_71, %dma_wait3A_79] : memref<79x128xi32, #tpu.memory_space<vmem>> -> memref<1x128xi32, #tpu.memory_space<vmem>>
      %dma_wait3A_81 = tpu.memref_squeeze %dma_wait3A_80 : memref<1x128xi32, #tpu.memory_space<vmem>> -> memref<128xi32, #tpu.memory_space<vmem>>
      %dma_wait3A_82 = arith.constant 0 : i32
      %dma_wait3A_83 = arith.constant 0 : i32
      %dma_wait3A_84 = tpu.memref_slice %arg4[%dma_wait3A_82, %dma_wait3A_83] : memref<10112x128xf32, #tpu.memory_space<hbm>> -> memref<10112x128xf32, #tpu.memory_space<hbm>>
      tpu.wait_indirect_dma semaphore(%arg11 : memref<!tpu.dma_semaphore, #tpu.memory_space<semaphore_mem>>) src(%dma_wait3A_84 : memref<10112x128xf32, #tpu.memory_space<hbm>>) dst(%arg9 : memref<128x128xf32, #tpu.memory_space<vmem>>)
      "tpu.region"() ({
        %run_scoped3A_86 = tpu.sem_alloc : memref<!tpu.dma_semaphore, #tpu.memory_space<semaphore_mem>>
        %dma_start3A_87 = arith.constant 0 : i32
        %dma_start3A_88 = tpu.memref_slice %arg8[%scan3A_71, %dma_start3A_87] : memref<79x128xi32, #tpu.memory_space<vmem>> -> memref<1x128xi32, #tpu.memory_space<vmem>>
        %dma_start3A_89 = tpu.memref_squeeze %dma_start3A_88 : memref<1x128xi32, #tpu.memory_space<vmem>> -> memref<128xi32, #tpu.memory_space<vmem>>
        %dma_start3A_90 = arith.constant 0 : i32
        %dma_start3A_91 = arith.constant 0 : i32
        %dma_start3A_92 = tpu.memref_slice %arg10[%dma_start3A_90, %dma_start3A_91] : memref<10112x128xf32, #tpu.memory_space<vmem_shared>> -> memref<10112x128xf32, #tpu.memory_space<vmem_shared>>
        tpu.enqueue_indirect_dma source(%arg9 : memref<128x128xf32, #tpu.memory_space<vmem>>) target(%dma_start3A_92 : memref<10112x128xf32, #tpu.memory_space<vmem_shared>>) offsets(%dma_start3A_89 : memref<128xi32, #tpu.memory_space<vmem>>) semaphore(%run_scoped3A_86 : memref<!tpu.dma_semaphore, #tpu.memory_space<semaphore_mem>>) {add = true}
        %dma_wait3A_93 = arith.constant 0 : i32
        %dma_wait3A_94 = tpu.memref_slice %arg8[%scan3A_71, %dma_wait3A_93] : memref<79x128xi32, #tpu.memory_space<vmem>> -> memref<1x128xi32, #tpu.memory_space<vmem>>
        %dma_wait3A_95 = tpu.memref_squeeze %dma_wait3A_94 : memref<1x128xi32, #tpu.memory_space<vmem>> -> memref<128xi32, #tpu.memory_space<vmem>>
        %dma_wait3A_96 = arith.constant 0 : i32
        %dma_wait3A_97 = arith.constant 0 : i32
        %dma_wait3A_98 = tpu.memref_slice %arg10[%dma_wait3A_96, %dma_wait3A_97] : memref<10112x128xf32, #tpu.memory_space<vmem_shared>> -> memref<10112x128xf32, #tpu.memory_space<vmem_shared>>
        tpu.wait_indirect_dma semaphore(%run_scoped3A_86 : memref<!tpu.dma_semaphore, #tpu.memory_space<semaphore_mem>>) src(%arg9 : memref<128x128xf32, #tpu.memory_space<vmem>>) dst(%dma_wait3A_98 : memref<10112x128xf32, #tpu.memory_space<vmem_shared>>)
        tpu.yield
      }) : () -> ()
      %scan3A_85 = arith.constant 0 : i32
      scf.yield %scan3A_85 : i32
    }
    %scan3A_62 = arith.constant 78 : i32
    %barrier3A_63 = arith.constant 0 : index
    tpu.barrier barrier_id(%barrier3A_63)
    %mul3A_64 = arith.constant 632 : i32
    %mul3A_65 = arith.muli %arg1, %mul3A_64 : i32
    %mul3A_66 = arith.constant 10112 : i32
    %mul3A_67 = arith.muli %arg0, %mul3A_66 : i32
    %mul3A_68 = arith.constant 632 : i32
    %mul3A_69 = arith.muli %arg1, %mul3A_68 : i32
    %add3A_70 = arith.addi %mul3A_67, %mul3A_69 : i32
    "tpu.region"() ({
      %run_scoped3A_71 = tpu.sem_alloc : memref<!tpu.dma_semaphore, #tpu.memory_space<semaphore_mem>>
      %dma_start3A_72 = arith.constant 0 : i32
      %dma_start3A_73 = tpu.memref_slice %arg6[%add3A_70, %dma_start3A_72] : memref<20224x128xf32, #tpu.memory_space<hbm>> -> memref<632x128xf32, #tpu.memory_space<hbm>>
      %dma_start3A_74 = arith.constant 0 : i32
      %dma_start3A_75 = tpu.memref_slice %arg10[%mul3A_65, %dma_start3A_74] : memref<10112x128xf32, #tpu.memory_space<vmem_shared>> -> memref<632x128xf32, #tpu.memory_space<vmem_shared>>
      tpu.enqueue_dma source(%dma_start3A_75 : memref<632x128xf32, #tpu.memory_space<vmem_shared>>) target(%dma_start3A_73 : memref<632x128xf32, #tpu.memory_space<hbm>>) target_semaphore(%run_scoped3A_71 : memref<!tpu.dma_semaphore, #tpu.memory_space<semaphore_mem>>)
      %dma_wait3A_76 = arith.constant 0 : i32
      %dma_wait3A_77 = tpu.memref_slice %arg6[%add3A_70, %dma_wait3A_76] : memref<20224x128xf32, #tpu.memory_space<hbm>> -> memref<632x128xf32, #tpu.memory_space<hbm>>
      %dma_wait3A_78 = arith.constant 0 : i32
      %dma_wait3A_79 = tpu.memref_slice %arg10[%mul3A_65, %dma_wait3A_78] : memref<10112x128xf32, #tpu.memory_space<vmem_shared>> -> memref<632x128xf32, #tpu.memory_space<vmem_shared>>
      tpu.wait_dma2 semaphore(%run_scoped3A_71 : memref<!tpu.dma_semaphore, #tpu.memory_space<semaphore_mem>>) src(%dma_wait3A_79 : memref<632x128xf32, #tpu.memory_space<vmem_shared>>) dst(%dma_wait3A_77 : memref<632x128xf32, #tpu.memory_space<hbm>>)
      tpu.yield
    }) : () -> ()
    return
  }
}

module attributes {stable_mosaic.version = 14 : i64} {
  func.func @_enc_body(%arg0: i32, %arg1: memref<2000x128xf32, #tpu.memory_space<vmem>>, %arg2: memref<128x128xf32, #tpu.memory_space<vmem>>, %arg3: memref<1x128xf32, #tpu.memory_space<vmem>>, %arg4: memref<1x128x128xf32, #tpu.memory_space<vmem>>, %arg5: memref<2000x128xf32, #tpu.memory_space<vmem>>) attributes {dimension_semantics = [#tpu.dimension_semantics<arbitrary>], iteration_bounds = array<i64: 5>, scalar_prefetch = 0 : i64, scratch_operands = 0 : i64, tpu.core_type = #tpu.core_type<tc>, window_params = [{transform_indices = @transform_0, window_bounds = array<i64: 2000, 128>}, {pipeline_mode = #tpu.pipeline_mode<synchronous>, transform_indices = @transform_1, window_bounds = array<i64: 128, 128>}, {pipeline_mode = #tpu.pipeline_mode<synchronous>, transform_indices = @transform_2, window_bounds = array<i64: 1, 128>}, {transform_indices = @transform_3, window_bounds = array<i64: 1, 128, 128>}, {transform_indices = @transform_4, window_bounds = array<i64: 2000, 128>}]} {
    %get3A = arith.constant 0 : index
    %get3A_0 = arith.constant 0 : index
    %get3A_1 = vector.load %arg1[%get3A, %get3A_0] : memref<2000x128xf32, #tpu.memory_space<vmem>>, vector<2000x128xf32>
    %get3A_2 = arith.constant 0 : index
    %get3A_3 = arith.constant 0 : index
    %get3A_4 = vector.load %arg2[%get3A_2, %get3A_3] : memref<128x128xf32, #tpu.memory_space<vmem>>, vector<128x128xf32>
    %dot_general3A = arith.constant dense<0.000000e+00> : vector<2000x128xf32>
    %dot_general3A_5 = tpu.matmul %get3A_1, %get3A_4, %dot_general3A {dimension_numbers = #tpu.dot_dimension_numbers<[1], [0], [0], [1], [0, 0, 1, 1], [], []>, transpose_lhs_hint = false} : vector<2000x128xf32>, vector<128x128xf32>, vector<2000x128xf32> -> vector<2000x128xf32>
    %get3A_6 = arith.constant 0 : index
    %get3A_7 = arith.constant 0 : index
    %get3A_8 = vector.load %arg3[%get3A_6, %get3A_7] : memref<1x128xf32, #tpu.memory_space<vmem>>, vector<1x128xf32>
    %add3A = vector.broadcast %get3A_8 : vector<1x128xf32> to vector<2000x128xf32>
    %add3A_9 = arith.addf %dot_general3A_5, %add3A : vector<2000x128xf32>
    %get3A_10 = arith.constant 0 : index
    %get3A_11 = arith.constant 0 : index
    %get3A_12 = arith.constant 0 : index
    %get3A_13 = vector.load %arg4[%get3A_10, %get3A_11, %get3A_12] : memref<1x128x128xf32, #tpu.memory_space<vmem>>, vector<1x128x128xf32>
    %get3A_14 = vector.shape_cast %get3A_13 : vector<1x128x128xf32> to vector<128x128xf32>
    %dot_general3A_15 = arith.constant dense<0.000000e+00> : vector<2000x128xf32>
    %dot_general3A_16 = tpu.matmul %add3A_9, %get3A_14, %dot_general3A_15 {dimension_numbers = #tpu.dot_dimension_numbers<[1], [0], [0], [1], [0, 0, 1, 1], [], []>, transpose_lhs_hint = false} : vector<2000x128xf32>, vector<128x128xf32>, vector<2000x128xf32> -> vector<2000x128xf32>
    %swap3A = arith.constant 0 : index
    %swap3A_17 = arith.constant 0 : index
    %swap3A_18 = vector.load %arg5[%swap3A, %swap3A_17] : memref<2000x128xf32, #tpu.memory_space<vmem>>, vector<2000x128xf32>
    tpu.vector_store %arg5[%swap3A, %swap3A_17], %dot_general3A_16 {strides = array<i32>} : memref<2000x128xf32, #tpu.memory_space<vmem>>, vector<2000x128xf32>,
    return
  }
  func.func @transform_0(%arg0: i32) -> (i32, i32) {
    %c0_i32 = arith.constant 0 : i32
    %c0_i32_0 = arith.constant 0 : i32
    return %arg0, %c0_i32 : i32, i32
  }
  func.func @transform_1(%arg0: i32) -> (i32, i32) {
    %c0_i32 = arith.constant 0 : i32
    %c0_i32_0 = arith.constant 0 : i32
    %c0_i32_1 = arith.constant 0 : i32
    return %c0_i32, %c0_i32_0 : i32, i32
  }
  func.func @transform_2(%arg0: i32) -> (i32, i32) {
    %c0_i32 = arith.constant 0 : i32
    %c0_i32_0 = arith.constant 0 : i32
    %c0_i32_1 = arith.constant 0 : i32
    return %c0_i32, %c0_i32_0 : i32, i32
  }
  func.func @transform_3(%arg0: i32) -> (i32, i32, i32) {
    %c0_i32 = arith.constant 0 : i32
    %c0_i32_0 = arith.constant 0 : i32
    %c0_i32_1 = arith.constant 0 : i32
    %c0_i32_2 = arith.constant 0 : i32
    return %c0_i32, %c0_i32_0, %c0_i32_1 : i32, i32, i32
  }
  func.func @transform_4(%arg0: i32) -> (i32, i32) {
    %c0_i32 = arith.constant 0 : i32
    %c0_i32_0 = arith.constant 0 : i32
    return %arg0, %c0_i32 : i32, i32
  }
}

module attributes {stable_mosaic.version = 14 : i64} {
  func.func @_scale_body(%arg0: i32, %arg1: memref<2x2528x128xf32, #tpu.memory_space<vmem>>, %arg2: memref<2528x128xf32, #tpu.memory_space<vmem>>, %arg3: memref<2528x128xf32, #tpu.memory_space<vmem>>, %arg4: memref<2528x1xf32, #tpu.memory_space<vmem>>) attributes {dimension_semantics = [#tpu.dimension_semantics<arbitrary>], iteration_bounds = array<i64: 4>, scalar_prefetch = 0 : i64, scratch_operands = 0 : i64, tpu.core_type = #tpu.core_type<tc>, window_params = [{transform_indices = @transform_0, window_bounds = array<i64: 2, 2528, 128>}, {transform_indices = @transform_1, window_bounds = array<i64: 2528, 128>}, {transform_indices = @transform_2, window_bounds = array<i64: 2528, 128>}, {transform_indices = @transform_3, window_bounds = array<i64: 2528, 1>}]} {
    %get3A = arith.constant 0 : index
    %get3A_0 = arith.constant 0 : index
    %get3A_1 = arith.constant 0 : index
    %get3A_2 = vector.load %arg1[%get3A, %get3A_0, %get3A_1] : memref<2x2528x128xf32, #tpu.memory_space<vmem>>, vector<2x2528x128xf32>
    %slice3A = vector.extract_strided_slice %get3A_2 {offsets = [0, 0, 0], sizes = [1, 2528, 1], strides = [1, 1, 1]} : vector<2x2528x128xf32> to vector<1x2528x1xf32>
    %squeeze3A = vector.shape_cast %slice3A : vector<1x2528x1xf32> to vector<2528x1xf32>
    %slice3A_3 = vector.extract_strided_slice %get3A_2 {offsets = [1, 0, 0], sizes = [1, 2528, 1], strides = [1, 1, 1]} : vector<2x2528x128xf32> to vector<1x2528x1xf32>
    %squeeze3A_4 = vector.shape_cast %slice3A_3 : vector<1x2528x1xf32> to vector<2528x1xf32>
    %add3A = arith.addf %squeeze3A, %squeeze3A_4 : vector<2528x1xf32>
    %add3A_5 = arith.constant 1.000000e+00 : f32
    %add3A_6 = vector.broadcast %add3A_5 : f32 to vector<2528x1xf32>
    %add3A_7 = arith.addf %add3A, %add3A_6 : vector<2528x1xf32>
    %max3A = arith.constant 1.000000e+00 : f32
    %max3A_8 = vector.broadcast %max3A : f32 to vector<2528x1xf32>
    %max3A_9 = arith.maximumf %add3A_7, %max3A_8 : vector<2528x1xf32>
    %rsqrt3A = math.rsqrt %max3A_9 : vector<2528x1xf32>
    %mul3A = arith.constant 2528 : i32
    %mul3A_10 = arith.muli %arg0, %mul3A : i32
    %iota3A = tpu.iota {dimensions = array<i32: 0>} : vector<2528x1xi32>
    %add3A_11 = vector.broadcast %mul3A_10 : i32 to vector<2528x1xi32>
    %add3A_12 = arith.addi %add3A_11, %iota3A : vector<2528x1xi32>
    %lt3A = arith.constant 10000 : i32
    %lt3A_13 = vector.broadcast %lt3A : i32 to vector<2528x1xi32>
    %lt3A_14 = arith.cmpi slt, %add3A_12, %lt3A_13 : vector<2528x1xi32>
    %get3A_15 = arith.constant 0 : index
    %get3A_16 = arith.constant 0 : index
    %get3A_17 = vector.load %arg2[%get3A_15, %get3A_16] : memref<2528x128xf32, #tpu.memory_space<vmem>>, vector<2528x128xf32>
    %mul3A_18 = vector.broadcast %rsqrt3A : vector<2528x1xf32> to vector<2528x128xf32>
    %mul3A_19 = arith.mulf %mul3A_18, %get3A_17 : vector<2528x128xf32>
    %jit3A = arith.constant 0.000000e+00 : f32
    %broadcast_in_dim3A = vector.shape_cast %lt3A_14 : vector<2528x1xi1> to vector<2528x1xi1>
    %broadcast_in_dim3A_20 = vector.broadcast %broadcast_in_dim3A : vector<2528x1xi1> to vector<2528x128xi1>
    %broadcast_in_dim3A_21 = vector.broadcast %jit3A : f32 to vector<2528x128xf32>
    %select_n3A = arith.select %broadcast_in_dim3A_20, %mul3A_19, %broadcast_in_dim3A_21 : vector<2528x128xi1>, vector<2528x128xf32>
    %swap3A = arith.constant 0 : index
    %swap3A_22 = arith.constant 0 : index
    %swap3A_23 = vector.load %arg3[%swap3A, %swap3A_22] : memref<2528x128xf32, #tpu.memory_space<vmem>>, vector<2528x128xf32>
    tpu.vector_store %arg3[%swap3A, %swap3A_22], %select_n3A {strides = array<i32>} : memref<2528x128xf32, #tpu.memory_space<vmem>>, vector<2528x128xf32>,
    %jit3A_24 = arith.constant 0.000000e+00 : f32
    %broadcast_in_dim3A_25 = vector.broadcast %jit3A_24 : f32 to vector<2528x1xf32>
    %select_n3A_26 = arith.select %lt3A_14, %rsqrt3A, %broadcast_in_dim3A_25 : vector<2528x1xi1>, vector<2528x1xf32>
    %swap3A_27 = arith.constant 0 : index
    %swap3A_28 = arith.constant 0 : index
    %swap3A_29 = vector.load %arg4[%swap3A_27, %swap3A_28] : memref<2528x1xf32, #tpu.memory_space<vmem>>, vector<2528x1xf32>
    tpu.vector_store %arg4[%swap3A_27, %swap3A_28], %select_n3A_26 {strides = array<i32>} : memref<2528x1xf32, #tpu.memory_space<vmem>>, vector<2528x1xf32>,
    return
  }
  func.func @transform_0(%arg0: i32) -> (i32, i32, i32) {
    %c0_i32 = arith.constant 0 : i32
    %c0_i32_0 = arith.constant 0 : i32
    %c0_i32_1 = arith.constant 0 : i32
    return %c0_i32, %arg0, %c0_i32_0 : i32, i32, i32
  }
  func.func @transform_1(%arg0: i32) -> (i32, i32) {
    %c0_i32 = arith.constant 0 : i32
    %c0_i32_0 = arith.constant 0 : i32
    return %arg0, %c0_i32 : i32, i32
  }
  func.func @transform_2(%arg0: i32) -> (i32, i32) {
    %c0_i32 = arith.constant 0 : i32
    %c0_i32_0 = arith.constant 0 : i32
    return %arg0, %c0_i32 : i32, i32
  }
  func.func @transform_3(%arg0: i32) -> (i32, i32) {
    %c0_i32 = arith.constant 0 : i32
    %c0_i32_0 = arith.constant 0 : i32
    return %arg0, %c0_i32 : i32, i32
  }
}

module attributes {stable_mosaic.version = 14 : i64} {
  func.func @_update_body(%arg0: i32, %arg1: memref<2x2528x128xf32, #tpu.memory_space<vmem>>, %arg2: memref<2528x128xf32, #tpu.memory_space<vmem>>, %arg3: memref<2528x1xf32, #tpu.memory_space<vmem>>, %arg4: memref<1x128x128xf32, #tpu.memory_space<vmem>>, %arg5: memref<1x1x128xf32, #tpu.memory_space<vmem>>, %arg6: memref<1x1x128xf32, #tpu.memory_space<vmem>>, %arg7: memref<1x1x128xf32, #tpu.memory_space<vmem>>, %arg8: memref<2528x128xf32, #tpu.memory_space<vmem>>) attributes {dimension_semantics = [#tpu.dimension_semantics<arbitrary>], iteration_bounds = array<i64: 4>, scalar_prefetch = 0 : i64, scratch_operands = 0 : i64, tpu.core_type = #tpu.core_type<tc>, window_params = [{transform_indices = @transform_0, window_bounds = array<i64: 2, 2528, 128>}, {transform_indices = @transform_1, window_bounds = array<i64: 2528, 128>}, {transform_indices = @transform_2, window_bounds = array<i64: 2528, 1>}, {transform_indices = @transform_3, window_bounds = array<i64: 1, 128, 128>}, {transform_indices = @transform_4, window_bounds = array<i64: 1, 1, 128>}, {transform_indices = @transform_5, window_bounds = array<i64: 1, 1, 128>}, {transform_indices = @transform_6, window_bounds = array<i64: 1, 1, 128>}, {transform_indices = @transform_7, window_bounds = array<i64: 2528, 128>}]} {
    %get3A = arith.constant 0 : index
    %get3A_0 = arith.constant 0 : index
    %get3A_1 = arith.constant 0 : index
    %get3A_2 = vector.load %arg1[%get3A, %get3A_0, %get3A_1] : memref<2x2528x128xf32, #tpu.memory_space<vmem>>, vector<2x2528x128xf32>
    %slice3A = vector.extract_strided_slice %get3A_2 {offsets = [0, 0, 0], sizes = [1, 2528, 128], strides = [1, 1, 1]} : vector<2x2528x128xf32> to vector<1x2528x128xf32>
    %squeeze3A = vector.shape_cast %slice3A : vector<1x2528x128xf32> to vector<2528x128xf32>
    %slice3A_3 = vector.extract_strided_slice %get3A_2 {offsets = [1, 0, 0], sizes = [1, 2528, 128], strides = [1, 1, 1]} : vector<2x2528x128xf32> to vector<1x2528x128xf32>
    %squeeze3A_4 = vector.shape_cast %slice3A_3 : vector<1x2528x128xf32> to vector<2528x128xf32>
    %add3A = arith.addf %squeeze3A, %squeeze3A_4 : vector<2528x128xf32>
    %get3A_5 = arith.constant 0 : index
    %get3A_6 = arith.constant 0 : index
    %get3A_7 = vector.load %arg2[%get3A_5, %get3A_6] : memref<2528x128xf32, #tpu.memory_space<vmem>>, vector<2528x128xf32>
    %add3A_8 = arith.addf %add3A, %get3A_7 : vector<2528x128xf32>
    %get3A_9 = arith.constant 0 : index
    %get3A_10 = arith.constant 0 : index
    %get3A_11 = vector.load %arg3[%get3A_9, %get3A_10] : memref<2528x1xf32, #tpu.memory_space<vmem>>, vector<2528x1xf32>
    %mul3A = vector.broadcast %get3A_11 : vector<2528x1xf32> to vector<2528x128xf32>
    %mul3A_12 = arith.mulf %mul3A, %add3A_8 : vector<2528x128xf32>
    %get3A_13 = arith.constant 0 : index
    %get3A_14 = arith.constant 0 : index
    %get3A_15 = arith.constant 0 : index
    %get3A_16 = vector.load %arg5[%get3A_13, %get3A_14, %get3A_15] : memref<1x1x128xf32, #tpu.memory_space<vmem>>, vector<1x1x128xf32>
    %get3A_17 = vector.shape_cast %get3A_16 : vector<1x1x128xf32> to vector<1x128xf32>
    %add3A_18 = vector.broadcast %get3A_17 : vector<1x128xf32> to vector<2528x128xf32>
    %add3A_19 = arith.addf %mul3A_12, %add3A_18 : vector<2528x128xf32>
    %get3A_20 = arith.constant 0 : index
    %get3A_21 = arith.constant 0 : index
    %get3A_22 = arith.constant 0 : index
    %get3A_23 = vector.load %arg6[%get3A_20, %get3A_21, %get3A_22] : memref<1x1x128xf32, #tpu.memory_space<vmem>>, vector<1x1x128xf32>
    %get3A_24 = vector.shape_cast %get3A_23 : vector<1x1x128xf32> to vector<1x128xf32>
    %mul3A_25 = arith.constant 0.999994993 : f32
    %mul3A_26 = vector.broadcast %mul3A_25 : f32 to vector<1x128xf32>
    %mul3A_27 = arith.mulf %get3A_24, %mul3A_26 : vector<1x128xf32>
    %mul3A_28 = vector.broadcast %mul3A_27 : vector<1x128xf32> to vector<2528x128xf32>
    %mul3A_29 = arith.mulf %add3A_19, %mul3A_28 : vector<2528x128xf32>
    %get3A_30 = arith.constant 0 : index
    %get3A_31 = arith.constant 0 : index
    %get3A_32 = arith.constant 0 : index
    %get3A_33 = vector.load %arg7[%get3A_30, %get3A_31, %get3A_32] : memref<1x1x128xf32, #tpu.memory_space<vmem>>, vector<1x1x128xf32>
    %get3A_34 = vector.shape_cast %get3A_33 : vector<1x1x128xf32> to vector<1x128xf32>
    %add3A_35 = vector.broadcast %get3A_34 : vector<1x128xf32> to vector<2528x128xf32>
    %add3A_36 = arith.addf %mul3A_29, %add3A_35 : vector<2528x128xf32>
    %max3A = arith.constant 0.000000e+00 : f32
    %max3A_37 = vector.broadcast %max3A : f32 to vector<2528x128xf32>
    %max3A_38 = arith.maximumf %add3A_36, %max3A_37 : vector<2528x128xf32>
    %get3A_39 = arith.constant 0 : index
    %get3A_40 = arith.constant 0 : index
    %get3A_41 = arith.constant 0 : index
    %get3A_42 = vector.load %arg4[%get3A_39, %get3A_40, %get3A_41] : memref<1x128x128xf32, #tpu.memory_space<vmem>>, vector<1x128x128xf32>
    %get3A_43 = vector.shape_cast %get3A_42 : vector<1x128x128xf32> to vector<128x128xf32>
    %dot_general3A = arith.constant dense<0.000000e+00> : vector<2528x128xf32>
    %dot_general3A_44 = tpu.matmul %max3A_38, %get3A_43, %dot_general3A {dimension_numbers = #tpu.dot_dimension_numbers<[1], [0], [0], [1], [0, 0, 1, 1], [], []>, transpose_lhs_hint = false} : vector<2528x128xf32>, vector<128x128xf32>, vector<2528x128xf32> -> vector<2528x128xf32>
    %mul3A_45 = arith.constant 2528 : i32
    %mul3A_46 = arith.muli %arg0, %mul3A_45 : i32
    %iota3A = tpu.iota {dimensions = array<i32: 0>} : vector<2528x1xi32>
    %add3A_47 = vector.broadcast %mul3A_46 : i32 to vector<2528x1xi32>
    %add3A_48 = arith.addi %add3A_47, %iota3A : vector<2528x1xi32>
    %lt3A = arith.constant 10000 : i32
    %lt3A_49 = vector.broadcast %lt3A : i32 to vector<2528x1xi32>
    %lt3A_50 = arith.cmpi slt, %add3A_48, %lt3A_49 : vector<2528x1xi32>
    %mul3A_51 = vector.broadcast %get3A_11 : vector<2528x1xf32> to vector<2528x128xf32>
    %mul3A_52 = arith.mulf %mul3A_51, %dot_general3A_44 : vector<2528x128xf32>
    %jit3A = arith.constant 0.000000e+00 : f32
    %broadcast_in_dim3A = vector.shape_cast %lt3A_50 : vector<2528x1xi1> to vector<2528x1xi1>
    %broadcast_in_dim3A_53 = vector.broadcast %broadcast_in_dim3A : vector<2528x1xi1> to vector<2528x128xi1>
    %broadcast_in_dim3A_54 = vector.broadcast %jit3A : f32 to vector<2528x128xf32>
    %select_n3A = arith.select %broadcast_in_dim3A_53, %mul3A_52, %broadcast_in_dim3A_54 : vector<2528x128xi1>, vector<2528x128xf32>
    %swap3A = arith.constant 0 : index
    %swap3A_55 = arith.constant 0 : index
    %swap3A_56 = vector.load %arg8[%swap3A, %swap3A_55] : memref<2528x128xf32, #tpu.memory_space<vmem>>, vector<2528x128xf32>
    tpu.vector_store %arg8[%swap3A, %swap3A_55], %select_n3A {strides = array<i32>} : memref<2528x128xf32, #tpu.memory_space<vmem>>, vector<2528x128xf32>,
    return
  }
  func.func @transform_0(%arg0: i32) -> (i32, i32, i32) {
    %c0_i32 = arith.constant 0 : i32
    %c0_i32_0 = arith.constant 0 : i32
    %c0_i32_1 = arith.constant 0 : i32
    return %c0_i32, %arg0, %c0_i32_0 : i32, i32, i32
  }
  func.func @transform_1(%arg0: i32) -> (i32, i32) {
    %c0_i32 = arith.constant 0 : i32
    %c0_i32_0 = arith.constant 0 : i32
    return %arg0, %c0_i32 : i32, i32
  }
  func.func @transform_2(%arg0: i32) -> (i32, i32) {
    %c0_i32 = arith.constant 0 : i32
    %c0_i32_0 = arith.constant 0 : i32
    return %arg0, %c0_i32 : i32, i32
  }
  func.func @transform_3(%arg0: i32) -> (i32, i32, i32) {
    %c1_i32 = arith.constant 1 : i32
    %c0_i32 = arith.constant 0 : i32
    %c0_i32_0 = arith.constant 0 : i32
    %c0_i32_1 = arith.constant 0 : i32
    return %c1_i32, %c0_i32, %c0_i32_0 : i32, i32, i32
  }
  func.func @transform_4(%arg0: i32) -> (i32, i32, i32) {
    %c0_i32 = arith.constant 0 : i32
    %c0_i32_0 = arith.constant 0 : i32
    %c0_i32_1 = arith.constant 0 : i32
    %c0_i32_2 = arith.constant 0 : i32
    return %c0_i32, %c0_i32_0, %c0_i32_1 : i32, i32, i32
  }
  func.func @transform_5(%arg0: i32) -> (i32, i32, i32) {
    %c0_i32 = arith.constant 0 : i32
    %c0_i32_0 = arith.constant 0 : i32
    %c0_i32_1 = arith.constant 0 : i32
    %c0_i32_2 = arith.constant 0 : i32
    return %c0_i32, %c0_i32_0, %c0_i32_1 : i32, i32, i32
  }
  func.func @transform_6(%arg0: i32) -> (i32, i32, i32) {
    %c0_i32 = arith.constant 0 : i32
    %c0_i32_0 = arith.constant 0 : i32
    %c0_i32_1 = arith.constant 0 : i32
    %c0_i32_2 = arith.constant 0 : i32
    return %c0_i32, %c0_i32_0, %c0_i32_1 : i32, i32, i32
  }
  func.func @transform_7(%arg0: i32) -> (i32, i32) {
    %c0_i32 = arith.constant 0 : i32
    %c0_i32_0 = arith.constant 0 : i32
    return %arg0, %c0_i32 : i32, i32
  }
}

module attributes {stable_mosaic.version = 14 : i64} {
  func.func @_update_body(%arg0: i32, %arg1: memref<2x2528x128xf32, #tpu.memory_space<vmem>>, %arg2: memref<2528x128xf32, #tpu.memory_space<vmem>>, %arg3: memref<2528x1xf32, #tpu.memory_space<vmem>>, %arg4: memref<1x128x128xf32, #tpu.memory_space<vmem>>, %arg5: memref<1x1x128xf32, #tpu.memory_space<vmem>>, %arg6: memref<1x1x128xf32, #tpu.memory_space<vmem>>, %arg7: memref<1x1x128xf32, #tpu.memory_space<vmem>>, %arg8: memref<2528x128xf32, #tpu.memory_space<vmem>>) attributes {dimension_semantics = [#tpu.dimension_semantics<arbitrary>], iteration_bounds = array<i64: 4>, scalar_prefetch = 0 : i64, scratch_operands = 0 : i64, tpu.core_type = #tpu.core_type<tc>, window_params = [{transform_indices = @transform_0, window_bounds = array<i64: 2, 2528, 128>}, {transform_indices = @transform_1, window_bounds = array<i64: 2528, 128>}, {transform_indices = @transform_2, window_bounds = array<i64: 2528, 1>}, {transform_indices = @transform_3, window_bounds = array<i64: 1, 128, 128>}, {transform_indices = @transform_4, window_bounds = array<i64: 1, 1, 128>}, {transform_indices = @transform_5, window_bounds = array<i64: 1, 1, 128>}, {transform_indices = @transform_6, window_bounds = array<i64: 1, 1, 128>}, {transform_indices = @transform_7, window_bounds = array<i64: 2528, 128>}]} {
    %get3A = arith.constant 0 : index
    %get3A_0 = arith.constant 0 : index
    %get3A_1 = arith.constant 0 : index
    %get3A_2 = vector.load %arg1[%get3A, %get3A_0, %get3A_1] : memref<2x2528x128xf32, #tpu.memory_space<vmem>>, vector<2x2528x128xf32>
    %slice3A = vector.extract_strided_slice %get3A_2 {offsets = [0, 0, 0], sizes = [1, 2528, 128], strides = [1, 1, 1]} : vector<2x2528x128xf32> to vector<1x2528x128xf32>
    %squeeze3A = vector.shape_cast %slice3A : vector<1x2528x128xf32> to vector<2528x128xf32>
    %slice3A_3 = vector.extract_strided_slice %get3A_2 {offsets = [1, 0, 0], sizes = [1, 2528, 128], strides = [1, 1, 1]} : vector<2x2528x128xf32> to vector<1x2528x128xf32>
    %squeeze3A_4 = vector.shape_cast %slice3A_3 : vector<1x2528x128xf32> to vector<2528x128xf32>
    %add3A = arith.addf %squeeze3A, %squeeze3A_4 : vector<2528x128xf32>
    %get3A_5 = arith.constant 0 : index
    %get3A_6 = arith.constant 0 : index
    %get3A_7 = vector.load %arg2[%get3A_5, %get3A_6] : memref<2528x128xf32, #tpu.memory_space<vmem>>, vector<2528x128xf32>
    %add3A_8 = arith.addf %add3A, %get3A_7 : vector<2528x128xf32>
    %get3A_9 = arith.constant 0 : index
    %get3A_10 = arith.constant 0 : index
    %get3A_11 = vector.load %arg3[%get3A_9, %get3A_10] : memref<2528x1xf32, #tpu.memory_space<vmem>>, vector<2528x1xf32>
    %mul3A = vector.broadcast %get3A_11 : vector<2528x1xf32> to vector<2528x128xf32>
    %mul3A_12 = arith.mulf %mul3A, %add3A_8 : vector<2528x128xf32>
    %get3A_13 = arith.constant 0 : index
    %get3A_14 = arith.constant 0 : index
    %get3A_15 = arith.constant 0 : index
    %get3A_16 = vector.load %arg5[%get3A_13, %get3A_14, %get3A_15] : memref<1x1x128xf32, #tpu.memory_space<vmem>>, vector<1x1x128xf32>
    %get3A_17 = vector.shape_cast %get3A_16 : vector<1x1x128xf32> to vector<1x128xf32>
    %add3A_18 = vector.broadcast %get3A_17 : vector<1x128xf32> to vector<2528x128xf32>
    %add3A_19 = arith.addf %mul3A_12, %add3A_18 : vector<2528x128xf32>
    %get3A_20 = arith.constant 0 : index
    %get3A_21 = arith.constant 0 : index
    %get3A_22 = arith.constant 0 : index
    %get3A_23 = vector.load %arg6[%get3A_20, %get3A_21, %get3A_22] : memref<1x1x128xf32, #tpu.memory_space<vmem>>, vector<1x1x128xf32>
    %get3A_24 = vector.shape_cast %get3A_23 : vector<1x1x128xf32> to vector<1x128xf32>
    %mul3A_25 = arith.constant 0.999994993 : f32
    %mul3A_26 = vector.broadcast %mul3A_25 : f32 to vector<1x128xf32>
    %mul3A_27 = arith.mulf %get3A_24, %mul3A_26 : vector<1x128xf32>
    %mul3A_28 = vector.broadcast %mul3A_27 : vector<1x128xf32> to vector<2528x128xf32>
    %mul3A_29 = arith.mulf %add3A_19, %mul3A_28 : vector<2528x128xf32>
    %get3A_30 = arith.constant 0 : index
    %get3A_31 = arith.constant 0 : index
    %get3A_32 = arith.constant 0 : index
    %get3A_33 = vector.load %arg7[%get3A_30, %get3A_31, %get3A_32] : memref<1x1x128xf32, #tpu.memory_space<vmem>>, vector<1x1x128xf32>
    %get3A_34 = vector.shape_cast %get3A_33 : vector<1x1x128xf32> to vector<1x128xf32>
    %add3A_35 = vector.broadcast %get3A_34 : vector<1x128xf32> to vector<2528x128xf32>
    %add3A_36 = arith.addf %mul3A_29, %add3A_35 : vector<2528x128xf32>
    %max3A = arith.constant 0.000000e+00 : f32
    %max3A_37 = vector.broadcast %max3A : f32 to vector<2528x128xf32>
    %max3A_38 = arith.maximumf %add3A_36, %max3A_37 : vector<2528x128xf32>
    %get3A_39 = arith.constant 0 : index
    %get3A_40 = arith.constant 0 : index
    %get3A_41 = arith.constant 0 : index
    %get3A_42 = vector.load %arg4[%get3A_39, %get3A_40, %get3A_41] : memref<1x128x128xf32, #tpu.memory_space<vmem>>, vector<1x128x128xf32>
    %get3A_43 = vector.shape_cast %get3A_42 : vector<1x128x128xf32> to vector<128x128xf32>
    %dot_general3A = arith.constant dense<0.000000e+00> : vector<2528x128xf32>
    %dot_general3A_44 = tpu.matmul %max3A_38, %get3A_43, %dot_general3A {dimension_numbers = #tpu.dot_dimension_numbers<[1], [0], [0], [1], [0, 0, 1, 1], [], []>, transpose_lhs_hint = false} : vector<2528x128xf32>, vector<128x128xf32>, vector<2528x128xf32> -> vector<2528x128xf32>
    %mul3A_45 = arith.constant 2528 : i32
    %mul3A_46 = arith.muli %arg0, %mul3A_45 : i32
    %iota3A = tpu.iota {dimensions = array<i32: 0>} : vector<2528x1xi32>
    %add3A_47 = vector.broadcast %mul3A_46 : i32 to vector<2528x1xi32>
    %add3A_48 = arith.addi %add3A_47, %iota3A : vector<2528x1xi32>
    %lt3A = arith.constant 10000 : i32
    %lt3A_49 = vector.broadcast %lt3A : i32 to vector<2528x1xi32>
    %lt3A_50 = arith.cmpi slt, %add3A_48, %lt3A_49 : vector<2528x1xi32>
    %mul3A_51 = vector.broadcast %get3A_11 : vector<2528x1xf32> to vector<2528x128xf32>
    %mul3A_52 = arith.mulf %mul3A_51, %dot_general3A_44 : vector<2528x128xf32>
    %jit3A = arith.constant 0.000000e+00 : f32
    %broadcast_in_dim3A = vector.shape_cast %lt3A_50 : vector<2528x1xi1> to vector<2528x1xi1>
    %broadcast_in_dim3A_53 = vector.broadcast %broadcast_in_dim3A : vector<2528x1xi1> to vector<2528x128xi1>
    %broadcast_in_dim3A_54 = vector.broadcast %jit3A : f32 to vector<2528x128xf32>
    %select_n3A = arith.select %broadcast_in_dim3A_53, %mul3A_52, %broadcast_in_dim3A_54 : vector<2528x128xi1>, vector<2528x128xf32>
    %swap3A = arith.constant 0 : index
    %swap3A_55 = arith.constant 0 : index
    %swap3A_56 = vector.load %arg8[%swap3A, %swap3A_55] : memref<2528x128xf32, #tpu.memory_space<vmem>>, vector<2528x128xf32>
    tpu.vector_store %arg8[%swap3A, %swap3A_55], %select_n3A {strides = array<i32>} : memref<2528x128xf32, #tpu.memory_space<vmem>>, vector<2528x128xf32>,
    return
  }
  func.func @transform_0(%arg0: i32) -> (i32, i32, i32) {
    %c0_i32 = arith.constant 0 : i32
    %c0_i32_0 = arith.constant 0 : i32
    %c0_i32_1 = arith.constant 0 : i32
    return %c0_i32, %arg0, %c0_i32_0 : i32, i32, i32
  }
  func.func @transform_1(%arg0: i32) -> (i32, i32) {
    %c0_i32 = arith.constant 0 : i32
    %c0_i32_0 = arith.constant 0 : i32
    return %arg0, %c0_i32 : i32, i32
  }
  func.func @transform_2(%arg0: i32) -> (i32, i32) {
    %c0_i32 = arith.constant 0 : i32
    %c0_i32_0 = arith.constant 0 : i32
    return %arg0, %c0_i32 : i32, i32
  }
  func.func @transform_3(%arg0: i32) -> (i32, i32, i32) {
    %c2_i32 = arith.constant 2 : i32
    %c0_i32 = arith.constant 0 : i32
    %c0_i32_0 = arith.constant 0 : i32
    %c0_i32_1 = arith.constant 0 : i32
    return %c2_i32, %c0_i32, %c0_i32_0 : i32, i32, i32
  }
  func.func @transform_4(%arg0: i32) -> (i32, i32, i32) {
    %c1_i32 = arith.constant 1 : i32
    %c0_i32 = arith.constant 0 : i32
    %c0_i32_0 = arith.constant 0 : i32
    %c0_i32_1 = arith.constant 0 : i32
    return %c1_i32, %c0_i32, %c0_i32_0 : i32, i32, i32
  }
  func.func @transform_5(%arg0: i32) -> (i32, i32, i32) {
    %c1_i32 = arith.constant 1 : i32
    %c0_i32 = arith.constant 0 : i32
    %c0_i32_0 = arith.constant 0 : i32
    %c0_i32_1 = arith.constant 0 : i32
    return %c1_i32, %c0_i32, %c0_i32_0 : i32, i32, i32
  }
  func.func @transform_6(%arg0: i32) -> (i32, i32, i32) {
    %c1_i32 = arith.constant 1 : i32
    %c0_i32 = arith.constant 0 : i32
    %c0_i32_0 = arith.constant 0 : i32
    %c0_i32_1 = arith.constant 0 : i32
    return %c1_i32, %c0_i32, %c0_i32_0 : i32, i32, i32
  }
  func.func @transform_7(%arg0: i32) -> (i32, i32) {
    %c0_i32 = arith.constant 0 : i32
    %c0_i32_0 = arith.constant 0 : i32
    return %arg0, %c0_i32 : i32, i32
  }
}

module attributes {stable_mosaic.version = 14 : i64} {
  func.func @_update_body(%arg0: i32, %arg1: memref<2x2528x128xf32, #tpu.memory_space<vmem>>, %arg2: memref<2528x128xf32, #tpu.memory_space<vmem>>, %arg3: memref<2528x1xf32, #tpu.memory_space<vmem>>, %arg4: memref<1x128x128xf32, #tpu.memory_space<vmem>>, %arg5: memref<1x1x128xf32, #tpu.memory_space<vmem>>, %arg6: memref<1x1x128xf32, #tpu.memory_space<vmem>>, %arg7: memref<1x1x128xf32, #tpu.memory_space<vmem>>, %arg8: memref<2528x128xf32, #tpu.memory_space<vmem>>) attributes {dimension_semantics = [#tpu.dimension_semantics<arbitrary>], iteration_bounds = array<i64: 4>, scalar_prefetch = 0 : i64, scratch_operands = 0 : i64, tpu.core_type = #tpu.core_type<tc>, window_params = [{transform_indices = @transform_0, window_bounds = array<i64: 2, 2528, 128>}, {transform_indices = @transform_1, window_bounds = array<i64: 2528, 128>}, {transform_indices = @transform_2, window_bounds = array<i64: 2528, 1>}, {transform_indices = @transform_3, window_bounds = array<i64: 1, 128, 128>}, {transform_indices = @transform_4, window_bounds = array<i64: 1, 1, 128>}, {transform_indices = @transform_5, window_bounds = array<i64: 1, 1, 128>}, {transform_indices = @transform_6, window_bounds = array<i64: 1, 1, 128>}, {transform_indices = @transform_7, window_bounds = array<i64: 2528, 128>}]} {
    %get3A = arith.constant 0 : index
    %get3A_0 = arith.constant 0 : index
    %get3A_1 = arith.constant 0 : index
    %get3A_2 = vector.load %arg1[%get3A, %get3A_0, %get3A_1] : memref<2x2528x128xf32, #tpu.memory_space<vmem>>, vector<2x2528x128xf32>
    %slice3A = vector.extract_strided_slice %get3A_2 {offsets = [0, 0, 0], sizes = [1, 2528, 128], strides = [1, 1, 1]} : vector<2x2528x128xf32> to vector<1x2528x128xf32>
    %squeeze3A = vector.shape_cast %slice3A : vector<1x2528x128xf32> to vector<2528x128xf32>
    %slice3A_3 = vector.extract_strided_slice %get3A_2 {offsets = [1, 0, 0], sizes = [1, 2528, 128], strides = [1, 1, 1]} : vector<2x2528x128xf32> to vector<1x2528x128xf32>
    %squeeze3A_4 = vector.shape_cast %slice3A_3 : vector<1x2528x128xf32> to vector<2528x128xf32>
    %add3A = arith.addf %squeeze3A, %squeeze3A_4 : vector<2528x128xf32>
    %get3A_5 = arith.constant 0 : index
    %get3A_6 = arith.constant 0 : index
    %get3A_7 = vector.load %arg2[%get3A_5, %get3A_6] : memref<2528x128xf32, #tpu.memory_space<vmem>>, vector<2528x128xf32>
    %add3A_8 = arith.addf %add3A, %get3A_7 : vector<2528x128xf32>
    %get3A_9 = arith.constant 0 : index
    %get3A_10 = arith.constant 0 : index
    %get3A_11 = vector.load %arg3[%get3A_9, %get3A_10] : memref<2528x1xf32, #tpu.memory_space<vmem>>, vector<2528x1xf32>
    %mul3A = vector.broadcast %get3A_11 : vector<2528x1xf32> to vector<2528x128xf32>
    %mul3A_12 = arith.mulf %mul3A, %add3A_8 : vector<2528x128xf32>
    %get3A_13 = arith.constant 0 : index
    %get3A_14 = arith.constant 0 : index
    %get3A_15 = arith.constant 0 : index
    %get3A_16 = vector.load %arg5[%get3A_13, %get3A_14, %get3A_15] : memref<1x1x128xf32, #tpu.memory_space<vmem>>, vector<1x1x128xf32>
    %get3A_17 = vector.shape_cast %get3A_16 : vector<1x1x128xf32> to vector<1x128xf32>
    %add3A_18 = vector.broadcast %get3A_17 : vector<1x128xf32> to vector<2528x128xf32>
    %add3A_19 = arith.addf %mul3A_12, %add3A_18 : vector<2528x128xf32>
    %get3A_20 = arith.constant 0 : index
    %get3A_21 = arith.constant 0 : index
    %get3A_22 = arith.constant 0 : index
    %get3A_23 = vector.load %arg6[%get3A_20, %get3A_21, %get3A_22] : memref<1x1x128xf32, #tpu.memory_space<vmem>>, vector<1x1x128xf32>
    %get3A_24 = vector.shape_cast %get3A_23 : vector<1x1x128xf32> to vector<1x128xf32>
    %mul3A_25 = arith.constant 0.999994993 : f32
    %mul3A_26 = vector.broadcast %mul3A_25 : f32 to vector<1x128xf32>
    %mul3A_27 = arith.mulf %get3A_24, %mul3A_26 : vector<1x128xf32>
    %mul3A_28 = vector.broadcast %mul3A_27 : vector<1x128xf32> to vector<2528x128xf32>
    %mul3A_29 = arith.mulf %add3A_19, %mul3A_28 : vector<2528x128xf32>
    %get3A_30 = arith.constant 0 : index
    %get3A_31 = arith.constant 0 : index
    %get3A_32 = arith.constant 0 : index
    %get3A_33 = vector.load %arg7[%get3A_30, %get3A_31, %get3A_32] : memref<1x1x128xf32, #tpu.memory_space<vmem>>, vector<1x1x128xf32>
    %get3A_34 = vector.shape_cast %get3A_33 : vector<1x1x128xf32> to vector<1x128xf32>
    %add3A_35 = vector.broadcast %get3A_34 : vector<1x128xf32> to vector<2528x128xf32>
    %add3A_36 = arith.addf %mul3A_29, %add3A_35 : vector<2528x128xf32>
    %swap3A = arith.constant 0 : index
    %swap3A_37 = arith.constant 0 : index
    %swap3A_38 = vector.load %arg8[%swap3A, %swap3A_37] : memref<2528x128xf32, #tpu.memory_space<vmem>>, vector<2528x128xf32>
    tpu.vector_store %arg8[%swap3A, %swap3A_37], %add3A_36 {strides = array<i32>} : memref<2528x128xf32, #tpu.memory_space<vmem>>, vector<2528x128xf32>,
    return
  }
  func.func @transform_0(%arg0: i32) -> (i32, i32, i32) {
    %c0_i32 = arith.constant 0 : i32
    %c0_i32_0 = arith.constant 0 : i32
    %c0_i32_1 = arith.constant 0 : i32
    return %c0_i32, %arg0, %c0_i32_0 : i32, i32, i32
  }
  func.func @transform_1(%arg0: i32) -> (i32, i32) {
    %c0_i32 = arith.constant 0 : i32
    %c0_i32_0 = arith.constant 0 : i32
    return %arg0, %c0_i32 : i32, i32
  }
  func.func @transform_2(%arg0: i32) -> (i32, i32) {
    %c0_i32 = arith.constant 0 : i32
    %c0_i32_0 = arith.constant 0 : i32
    return %arg0, %c0_i32 : i32, i32
  }
  func.func @transform_3(%arg0: i32) -> (i32, i32, i32) {
    %c2_i32 = arith.constant 2 : i32
    %c0_i32 = arith.constant 0 : i32
    %c0_i32_0 = arith.constant 0 : i32
    %c0_i32_1 = arith.constant 0 : i32
    return %c2_i32, %c0_i32, %c0_i32_0 : i32, i32, i32
  }
  func.func @transform_4(%arg0: i32) -> (i32, i32, i32) {
    %c2_i32 = arith.constant 2 : i32
    %c0_i32 = arith.constant 0 : i32
    %c0_i32_0 = arith.constant 0 : i32
    %c0_i32_1 = arith.constant 0 : i32
    return %c2_i32, %c0_i32, %c0_i32_0 : i32, i32, i32
  }
  func.func @transform_5(%arg0: i32) -> (i32, i32, i32) {
    %c2_i32 = arith.constant 2 : i32
    %c0_i32 = arith.constant 0 : i32
    %c0_i32_0 = arith.constant 0 : i32
    %c0_i32_1 = arith.constant 0 : i32
    return %c2_i32, %c0_i32, %c0_i32_0 : i32, i32, i32
  }
  func.func @transform_6(%arg0: i32) -> (i32, i32, i32) {
    %c2_i32 = arith.constant 2 : i32
    %c0_i32 = arith.constant 0 : i32
    %c0_i32_0 = arith.constant 0 : i32
    %c0_i32_1 = arith.constant 0 : i32
    return %c2_i32, %c0_i32, %c0_i32_0 : i32, i32, i32
  }
  func.func @transform_7(%arg0: i32) -> (i32, i32) {
    %c0_i32 = arith.constant 0 : i32
    %c0_i32_0 = arith.constant 0 : i32
    return %arg0, %c0_i32 : i32, i32
  }
}

</mosaic_0001>

<sc_bundles>
// kernel: kernel.11.cloned.1.call-start
scs
__scs_entry_jumppad:
0x0: {  	(pc) =	sbr.rel $0x88, $3  }
0x1: {  	(tag) =	ssettag $0x0;
	lr =	simm.s32 $0x1  }
0x2: {  	[smem:$0x3F99] =	sst lr;
	_ =	strace $0xD0000000  }
0x3: {  	_ = 	snop  }
0x4: {  	_ = 	snop  }
0x5: {  	_ = 	snop  }
0x6: {  	_ = 	snop  }
0x7: {  	_ = 	snop  }
__scs_overlays_trampoline_lowered:
0x8: {  	[smem:$0x3FA8] =	sst s0  }
0x9: {  	[smem:$0x3FA9] =	sst s1  }
0xa: {  	[smem:$0x3FAA] =	sst s2  }
0xb: {  	[smem:$0x3FAB] =	sst s3  }
0xc: {  	[smem:$0x3FAC] =	sst s4  }
0xd: {  	[smem:$0x3FAD] =	sst s5  }
0xe: {  	[smem:$0x3FAE] =	sst s6  }
0xf: {  	[smem:$0x3FAF] =	sst s7  }
0x10: {  	[smem:$0x3FB0] =	sst s8  }
0x11: {  	[smem:$0x3FB1] =	sst s9;
	s0 =	simm.s32 @!p0 $0x0  }
0x12: {  	s1 =	sld [smem:$0x3F97];
	s0 =	simm.s32 @p0 $0x1  }
0x13: {  	[smem:$0x3FB2] =	sst s0;
	s0 =	simm.s32 @!p1 $0x0  }
0x14: {  	s2 =	sld [smem:$0x3F96];
	s0 =	simm.s32 @p1 $0x1  }
0x15: {  	[smem:$0x3FB3] =	sst s0;
	s0 =	simm.s32 @!p2 $0x0  }
0x16: {  	s3 =	sld [smem:$0x3FDB];
	s0 =	simm.s32 @p2 $0x1  }
0x17: {  	s4 =	simm.s32 $0x1BF5;
	[smem:$0x3FB5] =	sst s0  }
0x18: {  	s0 =	sld [smem:$0x3F98];
	_ =	swait.ge [sflag:s4], $0x0  }
0x19: {  	s7 =	sld [smem:$0x3F99]  }
0x1a: {  	s8 =	sadd.s32 $0xFFFFE003, lr  }
0x1b: {  	s9 =	sadd.s32 $0xFFFFFEF7, lr;
	s5 =	simm.s32 $0xFFFFFFFF;
	p2 =	slt.u32 s8, $0xFFFFF086  }
0x1c: {  	p1 =	slt.u32 s9, $0xF7A;
	s5 =	simm.s32 @!p2 $0x0  }
0x1d: {  	s5 =	simm.s32 @p1 $0x1;
	p0 =	seq.s32 s7, s2  }
0x1e: {  	s7 =	smul.u32 @!p0 $0xF7A, s2;
	p2 =	seq.s32 @!p0 s5, $0x0  }
0x1f: {  	s9 =	smul.u32 $0xF7A, s1;
	s8 =	simm.s32 @!p0 $0x1BF5;
	p2 =	por !p2, p0  }
0x20: {  	[sflag:s8] =	ssyncset.s32 @!p0 $0xFFFFF086;
	s6 =	sadd.s32 @!p0 s3, s7;
	s7 =	simm.s32 @!p0 $0x108  }
0x21: {  	s3 =	sadd.s32 s3, s9;
	s6 =	sadd.s32 @!p0 $0x88, s6;
	s7 =	simm.s32 @p2 $0x1082  }
0x22: {  	[simem:s7], [sflag:s8] =	dma.local @!p0 [hbm:s6], $0xF7A  }
0x23: {  	s9 =	sor.u32 $0xD0000000, s2;
	s6 =	simm.s32 $0x108;
	_ =	swait.ge @!p0 [sflag:s8], $0x0  }
0x24: {  	s3 =	sadd.s32 $0x88, s3;
	s6 =	simm.s32 @!p1 $0x1082;
	[sflag:s4] =	ssyncset.s32 $0xFFFFF086  }
0x25: {  	[simem:s6], [sflag:s4] =	dma.local [hbm:s3], $0xF7A  }
0x26: {  	[smem:$0x3F99] =	sst s1;
	(tag) =	ssettag s2;
	_ =	strace s9  }
0x27: {  	s1 =	sld [smem:$0x3FA9]  }
0x28: {  	s2 =	sld [smem:$0x3FAA]  }
0x29: {  	s4 =	sld [smem:$0x3FAC]  }
0x2a: {  	p0 =	seq.s32 s5, $0x0;
	s5 =	sld [smem:$0x3FAD]  }
0x2b: {  	s6 =	sld [smem:$0x3FAE]  }
0x2c: {  	s7 =	sld [smem:$0x3FAF]  }
0x2d: {  	s3 =	simm.s32 $0x108;
	s8 =	sld [smem:$0x3FB0]  }
0x2e: {  	s3 =	simm.s32 @!p0 $0x1082;
	s9 =	sld [smem:$0x3FB1]  }
0x2f: {  	lr =	sadd.s32 s0, s3;
	s0 =	sld [smem:$0x3FA8]  }
0x30: {  	s3 =	sld [smem:$0x3FAB]  }
0x31: {  	[smem:$0x3FB4] =	sst s10  }
0x32: {  	s10 =	sld [smem:$0x3FB2];
	_ =	sdelay $0x3  }
0x33: {  	p0 =	seq.s32 s10, $0x1;
	s10 =	sld [smem:$0x3FB4];
	_ =	sdelay $0x3  }
0x34: {  	[smem:$0x3FB4] =	sst s10  }
0x35: {  	s10 =	sld [smem:$0x3FB3];
	_ =	sdelay $0x3  }
0x36: {  	p1 =	seq.s32 s10, $0x1;
	s10 =	sld [smem:$0x3FB4];
	_ =	sdelay $0x3  }
0x37: {  	[smem:$0x3FB4] =	sst s10  }
0x38: {  	s10 =	sld [smem:$0x3FB5]  }
0x39: {  	_ = 	snop;
	(pc) =	sbr.ind lr, $3  }
0x3a: {  	_ = 	snop  }
0x3b: {  	_ = 	snop  }
0x3c: {  	p2 =	seq.s32 s10, $0x1;
	s10 =	sld [smem:$0x3FB4]  }
0x3d: {  	_ =	shalt  }
0x3e: {  	_ =	shalt  }
0x3f: {  	_ =	shalt  }
0x40: {  	_ =	shalt  }
0x41: {  	_ =	shalt  }
0x42: {  	_ =	shalt  }
0x43: {  	_ =	shalt  }
0x44: {  	_ =	shalt  }
0x45: {  	_ =	shalt  }
0x46: {  	_ =	shalt  }
0x47: {  	_ =	shalt  }
0x48: {  	_ =	shalt  }
0x49: {  	_ =	shalt  }
0x4a: {  	_ =	shalt  }
0x4b: {  	_ =	shalt  }
0x4c: {  	_ =	shalt  }
0x4d: {  	_ =	shalt  }
0x4e: {  	_ =	shalt  }
0x4f: {  	_ =	shalt  }
0x50: {  	_ =	shalt  }
0x51: {  	_ =	shalt  }
0x52: {  	_ =	shalt  }
0x53: {  	_ =	shalt  }
0x54: {  	_ =	shalt  }
0x55: {  	_ =	shalt  }
0x56: {  	_ =	shalt  }
0x57: {  	_ =	shalt  }
0x58: {  	_ =	shalt  }
0x59: {  	_ =	shalt  }
0x5a: {  	_ =	shalt  }
0x5b: {  	_ =	shalt  }
0x5c: {  	_ =	shalt  }
0x5d: {  	_ =	shalt  }
0x5e: {  	_ =	shalt  }
0x5f: {  	_ =	shalt  }
0x60: {  	_ =	shalt  }
0x61: {  	_ =	shalt  }
0x62: {  	_ =	shalt  }
0x63: {  	_ =	shalt  }
0x64: {  	_ =	shalt  }
0x65: {  	_ =	shalt  }
0x66: {  	_ =	shalt  }
0x67: {  	_ =	shalt  }
0x68: {  	_ =	shalt  }
0x69: {  	_ =	shalt  }
0x6a: {  	_ =	shalt  }
0x6b: {  	_ =	shalt  }
0x6c: {  	_ =	shalt  }
0x6d: {  	_ =	shalt  }
0x6e: {  	_ =	shalt  }
0x6f: {  	_ =	shalt  }
0x70: {  	_ =	shalt  }
0x71: {  	_ =	shalt  }
0x72: {  	_ =	shalt  }
0x73: {  	_ =	shalt  }
0x74: {  	_ =	shalt  }
0x75: {  	_ =	shalt  }
0x76: {  	_ =	shalt  }
0x77: {  	_ =	shalt  }
0x78: {  	_ =	shalt  }
0x79: {  	_ =	shalt  }
0x7a: {  	_ =	shalt  }
0x7b: {  	_ =	shalt  }
0x7c: {  	_ =	shalt  }
0x7d: {  	_ =	shalt  }
0x7e: {  	_ =	shalt  }
0x7f: {  	_ =	shalt  }
0x80: {  	_ =	shalt  }
0x81: {  	_ =	shalt  }
0x82: {  	_ =	shalt  }
0x83: {  	_ =	shalt  }
0x84: {  	_ =	shalt  }
0x85: {  	_ =	shalt  }
0x86: {  	_ =	shalt  }
0x87: {  	_ =	shalt  }
.Lfunc_end0:
.L_simem_size_0:
called_computation_lowered:
.L_overlay_start_0:
0x88: {  	s2 =	sld [smem:$0x3FD9]  }
0x89: {  	s3 =	sld [smem:$0x3FFE];
	_ =	sdelay $0x1  }
0x8a: {  	s1 =	srdreg.scid  }
0x8b: {  	s0 =	sand.u32 $0x1, s1  }
0x8c: {  	s16 =	sshll.u32 s0, $0xA;
	s2 =	sadd.s32 s3, s2  }
0x8d: {  	s2 =	sadd.s32 s2, s16  }
0x8e: {  	[smem:$0x3FC0] =	sst s2  }
0x8f: {  	_ = 	snop  }
0x90: {  	(tm) =	ssettm $0x1  }
0x91: {  	s17 =	sld [smem:$0x3FFB];
	_ =	sdelay $0x3  }
0x92: {  	_ =	strace s17  }
0x93: {  	s2 =	sld [smem:$0x3FFC];
	_ =	sdelay $0x3  }
0x94: {  	_ =	strace s2  }
0x95: {  	s2 =	sld [smem:$0x3FFD];
	_ =	sdelay $0x3  }
0x96: {  	_ =	strace s2  }
0x97: {  	_ =	strace $0x8FFFFFFF  }
0x98: {  	s18 =	sld [smem:$0x3FDB];
	_ =	sdelay $0x1  }
0x99: {  	s19 =	simm.s32 $_scs_section_size  }
0x9a: {  	s4 =	simm.s32 $_size__tile_overlayer_lowered;
	s5 =	simm.s32 $_tile_overlayer_lowered  }
0x9b: {  	s22 =	simm.s32 $0x1BFF;
	s21 =	sshll.u32 s5, $0x1;
	s2 =	sadd.s32 s19, s18  }
0x9c: {  	s6 =	simm.s32 $0x0;
	s20 =	sshll.u32 s4, $0x1;
	s4 =	sadd.s32 s21, s2  }
0x9d: {  	[timem:s6], [sflag:s22] =	dma.local [hbm:s4], s20  }
0x9e: {  	_ =	swait.ge [sflag:s22], s20  }
0x9f: {  	s3 =	ssub.s32 $0x0, s20;
	[sflag:s22] =	ssyncset.done $0x0  }
0xa0: {  	[sflag:s22] =	ssyncadd.s32 s3;
	_ =	sdelay $0x1  }
0xa1: {  	s23 =	simm.s32 $0x1B8B  }
0xa2: {  	_ =	swait.ge [sflag:s23], $0x1  }
0xa3: {  	[sflag:s23] =	ssyncset.done $0x0  }
0xa4: {  	s25 =	simm.s32 $0x1B8E;
	s24 =	sld [smem:$0x3FFE];
	[sflag:s23] =	ssyncadd.s32 $0xFFFFFFFF  }
0xa5: {  	s26 =	simm.s32 $execute0_lowered;
	[smem:$0x3FD2] =	sst s25  }
0xa6: {  	s4 =	sshll.u32 s26, $0x1;
	_ =	strace $0x80000046;
	[dreg:$0x1] =	wrdreg $0xFFFFFFFF  }
0xa7: {  	s28 =	simm.s32 $_size_execute0_lowered;
	s2 =	sadd.s32 s2, s4;
	[dreg:$0x0] =	wrdreg $0x0  }
0xa8: {  	s4 =	sshll.u32 s28, $0x1;
	[dreg:$0x2] =	wrdreg s2  }
0xa9: {  	[dreg:$0x3] =	wrdreg s4  }
0xaa: {  	[dreg:$0x4] =	wrdreg $0xC0  }
0xab: {  	_ =	task [dreg:s6], $0x5FFFF  }
0xac: {  	[dreg:$0x1] =	wrdreg $0xFFFFFFFF  }
0xad: {  	[dreg:$0x0] =	wrdreg $0x60  }
0xae: {  	[dreg:$0x2] =	wrdreg s24  }
0xaf: {  	[dreg:$0x3] =	wrdreg $0x68000  }
0xb0: {  	[dreg:$0x4] =	wrdreg $0x9  }
0xb1: {  	_ =	task.clear_ibuf [dreg:s6], $0x5FFFF;
	_ =	strace $0x90000046  }
0xb2: {  	s29 =	simm.s32 $0x9;
	_ =	strace $0x80000048  }
0xb3: {  	_ =	swait.ge [sflag:s29], $0x1  }
0xb4: {  	[sflag:s29] =	ssyncadd.s32 $0xFFFFFFFF  }
0xb5: {  	_ =	strace $0x90000048  }
0xb6: {  	_ =	sfence  }
0xb7: {  	s30 =	sld [smem:$0x0];
	_ =	sdelay $0x2  }
0xb8: {  	s31 =	sshll.u32 s1, $0xD;
	s1 =	sshrl.u32 s1, $0x2  }
0xb9: {  	s3 =	sand.u32 $0x4000, s31;
	s1 =	sadd.s32 s1, s30  }
0xba: {  	s0 =	sor.u32 s3, s0;
	s1 =	sshll.u32 s1, $0x11  }
0xbb: {  	s0 =	sor.u32 s1, s0  }
0xbc: {  	s0 =	sadd.s32 $0x8F2B, s0  }
0xbd: {  	[sflag:s0] =	ssyncadd.remote.s32 $0x1  }
0xbe: {  	_ =	sfence.sel $0xFFFF  }
0xbf: {  	[dreg:$0x0] =	wrdreg $0xFFFFFFFF;
	(pc) =	sbr.abs _section_cstart, $3  }
0xc0: {  	[dreg:$0x1] =	wrdreg $0xFFFFFFFF  }
0xc1: {  	_ =	task.clear_ibuf [dreg:s6], $0x2FFFF;
	_ =	strace $0x9FFFFFFF  }
0xc2: {  	(tm) =	ssettm $0x7FFFFFFF  }
0xc3: {  	_ =	shalt  }
tec
execute0_lowered:
.L_overlay_start_1:
0x0: {  	(tag) =	ssettag $0x1  }
0x1: {  	s0 =	srdreg.scid;
	s6 =	rddreg [dreg:$0x0]  }
0x2: {  	s2 =	rddreg [dreg:$0x1];
	s5 =	sand.u32 $0x1, s0;
	s0 =	stileid.u32  }
0x3: {  	s3 =	simm.s32 $0x0;
	s13 =	simm.s32 $0x80;
	s7 =	smul.u32 $0x2780, s0  }
0x4: {  	s14 =	simm.s32 $0x2;
	s16 =	simm.s32 $0x0;
	s8 =	smul.u32 $0x27800, s5  }
0x5: {  	[smem:$0x7FF] =	sst s3;
	s1 =	sshll.u32 s5, $0x4;
	s11 =	smul.u32 $0x4F000, s0  }
0x6: {  	s5 =	ssub.s32 $0x2, s5;
	s15 =	sshll.u32 s0, $0x6;
	s4 =	sor.u32 s0, s1  }
0x7: {  	s1 =	rddreg [dreg:$0x2];
	_ =	strace $0x80000047;
	s29 =	sshrl.u32 s5, $0x1  }
0x8: {  	s4 =	smul.u32 $0x500, s4;
	s10 =	sadd.s32 s7, s6;
	s7 =	sadd.s32 s7, s8  }
0x9: {  	s30 =	sshrl.u32 s11, $0x2;
	s31 =	ssub.s32 s5, s29;
	s8 =	sadd.s32 s7, s6  }
0xa: {  	s12 =	sadd.s32 s30, s2;
	s5 =	sadd.s32 $0xD400, s10;
	s10 =	simm.s32 $0x2800  }
0xb: {  	s9 =	sadd.s32 s4, s6;
	s4 =	sadd.s32 $0x34C00, s6;
	s6 =	sor.u32 $0x1C01, s15  }
0xc: {  	s8 =	sadd.s32 $0x35400, s8;
	s11 =	sshrl.u32 s12, $0x3;
	s12 =	simm.s32 $0x1  }
0xd: {  	s15 =	sor.u32 $0x1C02, s15;
	s7 =	sadd.s32 $0x3400, s9;
	s9 =	smax.u32 s31, $0x1  }
.LBB2_1:
0xe: {  	[tilespmem:s10], [sflag:$0x1] =	stream.linear.gather [hbm4b:s4+s3], $0x4000, $0x38;
	[tilespmem:$0x1A400] =	vst v63  }
0xf: {  	[spmem:s11], [sflag:s6] =	dma.local [hbm:s5], $0x2780  }
0x10: {  	[tilespmem:s3], [sflag:$0x1] =	stream.linear.gather [hbm4b:s7+s3], $0x2780, $0x38;
	[tilespmem:$0x1A400] =	vst v63  }
0x11: {  	_ =	swait.ge [sflag:s12], $0x4000  }
0x12: {  	[sflag:s12] =	ssyncset.done $0x0  }
0x13: {  	[sflag:s12] =	ssyncadd.s32 $0xFFFFC000  }
0x14: {  	_ =	swait.ge [sflag:s12], $0x2780  }
0x15: {  	[sflag:s12] =	ssyncset.done $0x0  }
0x16: {  	[sflag:s12] =	ssyncadd.s32 $0xFFFFD880  }
0x17: {  	_ =	swait.ge [sflag:s12], $0x2780  }
0x18: {  	[sflag:s12] =	ssyncset.done $0x0  }
0x19: {  	[sflag:s12] =	ssyncadd.s32 $0xFFFFD880  }
0x1a: {  	s17 =	simm.s32 $0x0;
	[bflag:$0x0] =	sbarrier.arrive $0xFFFF  }
0x1b: {  	[spmem:s2] =	stream.indirect.scatter.add.f32 [tilespmem:s10], [sflag:$0x2], $0x80, s17, s13, $0xb8;
	[tilespmem:$0x1A400] =	vst v63  }
0x1c: {  	_ =	swait.ge [sflag:s14], $0x4000  }
0x1d: {  	s17 =	simm.s32 $0x200;
	[sflag:s14] =	ssyncset.done $0x0  }
.LBB2_2:
0x1e: {  	s18 =	sshra.s32 s17, $0x2;
	[sflag:s14] =	ssyncadd.s32 $0xFFFFC000;
	p0 =	sne.s32 s17, $0x9C00  }
0x1f: {  	[spmem:s2] =	stream.indirect.scatter.add.f32 [tilespmem:s10], [sflag:$0x2], $0x80, s18, s13, $0xb8;
	[tilespmem:$0x1A400] =	vst v63  }
.Ltmp0:
0x20: {  	_ = 	snop;
	(pc) =	sbr.rel @p0 .LBB2_2-.Ltmp0, $4  }
0x21: {  	_ = 	snop  }
0x22: {  	s17 =	sadd.s32 $0x200, s17  }
0x23: {  	_ =	swait.ge [sflag:s14], $0x4000  }
0x24: {  	[sflag:s14] =	ssyncset.done $0x0  }
0x25: {  	s16 =	sadd.s32 $0x1, s16  }
0x26: {  	[sflag:s14] =	ssyncadd.s32 $0xFFFFC000;
	p0 =	sne.s32 s16, s9  }
.Ltmp1:
0x27: {  	[bflag:$0x0] =	sbarrier.arrive $0xFFFF;
	(pc) =	sbr.rel @p0 .LBB2_1-.Ltmp1, $4  }
0x28: {  	[hbm:s8], [sflag:s15] =	dma.local [spmem:s11], $0x2780  }
0x29: {  	_ =	swait.ge [sflag:s14], $0x2780  }
0x2a: {  	[sflag:s14] =	ssyncset.done $0x0  }
0x2b: {  	[sflag:s14] =	ssyncadd.s32 $0xFFFFD880  }
0x2c: {  	_ =	sfence.sel $0x180000  }
0x2d: {  	[bflag:$0x0] =	sbarrier.arrive $0xFFFF  }
0x2e: {  	p0 =	sne.s32 s0, $0x0;
	_ =	strace $0x90000047  }
0x2f: {  	s0 =	sadd.s32 @!p0 $0x100000, s1;
	[bflag:$0x2] =	sbarrier.arrive $0xFFFF  }
0x30: {  	[sflag:s0] =	ssyncadd.tile.s32 @!p0 $0x1;
	_ =	shalt  }
.Lfunc_end2:
_tile_overlayer_lowered:
.L_overlay_start_2:
0x31: {  	(tag) =	ssettag $0x2  }
0x32: {  	s0 =	rddreg [dreg:$0x0];
	s2 =	stileid.u32  }
0x33: {  	s1 =	rddreg [dreg:$0x1];
	p0 =	sne.s32 s2, $0x0  }
0x34: {  	s3 =	rddreg [dreg:$0x2];
	[bflag:$0x3] =	sbarrier.arrive $0xFFFF;
	s2 =	simm.s32 @!p0 $0x1C02  }
0x35: {  	[timem:s3], [sflag:s2] =	dma.local @!p0 [hbm:s0], s1  }
0x36: {  	s0 =	simm.s32 @!p0 $0x2  }
0x37: {  	_ =	swait.ge @!p0 [sflag:s0], s1  }
0x38: {  	s1 =	ssub.s32 @!p0 $0x0, s1;
	[sflag:s0] =	ssyncset.done @!p0 $0x0  }
0x39: {  	[sflag:s0] =	ssyncadd.s32 @!p0 s1  }
0x3a: {  	[bflag:$0x3] =	sbarrier.arrive $0xFFFF  }
0x3b: {  	_ =	shalt  }

// kernel: kernel.14.cloned.1.call-start
scs
__scs_entry_jumppad:
0x0: {  	(pc) =	sbr.rel $0x88, $3  }
0x1: {  	(tag) =	ssettag $0x0;
	lr =	simm.s32 $0x1  }
0x2: {  	[smem:$0x3F99] =	sst lr;
	_ =	strace $0xD0000000  }
0x3: {  	_ = 	snop  }
0x4: {  	_ = 	snop  }
0x5: {  	_ = 	snop  }
0x6: {  	_ = 	snop  }
0x7: {  	_ = 	snop  }
__scs_overlays_trampoline_lowered:
0x8: {  	[smem:$0x3FA8] =	sst s0  }
0x9: {  	[smem:$0x3FA9] =	sst s1  }
0xa: {  	[smem:$0x3FAA] =	sst s2  }
0xb: {  	[smem:$0x3FAB] =	sst s3  }
0xc: {  	[smem:$0x3FAC] =	sst s4  }
0xd: {  	[smem:$0x3FAD] =	sst s5  }
0xe: {  	[smem:$0x3FAE] =	sst s6  }
0xf: {  	[smem:$0x3FAF] =	sst s7  }
0x10: {  	[smem:$0x3FB0] =	sst s8  }
0x11: {  	[smem:$0x3FB1] =	sst s9;
	s0 =	simm.s32 @!p0 $0x0  }
0x12: {  	s1 =	sld [smem:$0x3F97];
	s0 =	simm.s32 @p0 $0x1  }
0x13: {  	[smem:$0x3FB2] =	sst s0;
	s0 =	simm.s32 @!p1 $0x0  }
0x14: {  	s2 =	sld [smem:$0x3F96];
	s0 =	simm.s32 @p1 $0x1  }
0x15: {  	[smem:$0x3FB3] =	sst s0;
	s0 =	simm.s32 @!p2 $0x0  }
0x16: {  	s3 =	sld [smem:$0x3FDB];
	s0 =	simm.s32 @p2 $0x1  }
0x17: {  	s4 =	simm.s32 $0x1BF5;
	[smem:$0x3FB5] =	sst s0  }
0x18: {  	s0 =	sld [smem:$0x3F98];
	_ =	swait.ge [sflag:s4], $0x0  }
0x19: {  	s7 =	sld [smem:$0x3F99]  }
0x1a: {  	s8 =	sadd.s32 $0xFFFFE003, lr  }
0x1b: {  	s9 =	sadd.s32 $0xFFFFFEF7, lr;
	s5 =	simm.s32 $0xFFFFFFFF;
	p2 =	slt.u32 s8, $0xFFFFF086  }
0x1c: {  	p1 =	slt.u32 s9, $0xF7A;
	s5 =	simm.s32 @!p2 $0x0  }
0x1d: {  	s5 =	simm.s32 @p1 $0x1;
	p0 =	seq.s32 s7, s2  }
0x1e: {  	s7 =	smul.u32 @!p0 $0xF7A, s2;
	p2 =	seq.s32 @!p0 s5, $0x0  }
0x1f: {  	s9 =	smul.u32 $0xF7A, s1;
	s8 =	simm.s32 @!p0 $0x1BF5;
	p2 =	por !p2, p0  }
0x20: {  	[sflag:s8] =	ssyncset.s32 @!p0 $0xFFFFF086;
	s6 =	sadd.s32 @!p0 s3, s7;
	s7 =	simm.s32 @!p0 $0x108  }
0x21: {  	s3 =	sadd.s32 s3, s9;
	s6 =	sadd.s32 @!p0 $0x88, s6;
	s7 =	simm.s32 @p2 $0x1082  }
0x22: {  	[simem:s7], [sflag:s8] =	dma.local @!p0 [hbm:s6], $0xF7A  }
0x23: {  	s9 =	sor.u32 $0xD0000000, s2;
	s6 =	simm.s32 $0x108;
	_ =	swait.ge @!p0 [sflag:s8], $0x0  }
0x24: {  	s3 =	sadd.s32 $0x88, s3;
	s6 =	simm.s32 @!p1 $0x1082;
	[sflag:s4] =	ssyncset.s32 $0xFFFFF086  }
0x25: {  	[simem:s6], [sflag:s4] =	dma.local [hbm:s3], $0xF7A  }
0x26: {  	[smem:$0x3F99] =	sst s1;
	(tag) =	ssettag s2;
	_ =	strace s9  }
0x27: {  	s1 =	sld [smem:$0x3FA9]  }
0x28: {  	s2 =	sld [smem:$0x3FAA]  }
0x29: {  	s4 =	sld [smem:$0x3FAC]  }
0x2a: {  	p0 =	seq.s32 s5, $0x0;
	s5 =	sld [smem:$0x3FAD]  }
0x2b: {  	s6 =	sld [smem:$0x3FAE]  }
0x2c: {  	s7 =	sld [smem:$0x3FAF]  }
0x2d: {  	s3 =	simm.s32 $0x108;
	s8 =	sld [smem:$0x3FB0]  }
0x2e: {  	s3 =	simm.s32 @!p0 $0x1082;
	s9 =	sld [smem:$0x3FB1]  }
0x2f: {  	lr =	sadd.s32 s0, s3;
	s0 =	sld [smem:$0x3FA8]  }
0x30: {  	s3 =	sld [smem:$0x3FAB]  }
0x31: {  	[smem:$0x3FB4] =	sst s10  }
0x32: {  	s10 =	sld [smem:$0x3FB2];
	_ =	sdelay $0x3  }
0x33: {  	p0 =	seq.s32 s10, $0x1;
	s10 =	sld [smem:$0x3FB4];
	_ =	sdelay $0x3  }
0x34: {  	[smem:$0x3FB4] =	sst s10  }
0x35: {  	s10 =	sld [smem:$0x3FB3];
	_ =	sdelay $0x3  }
0x36: {  	p1 =	seq.s32 s10, $0x1;
	s10 =	sld [smem:$0x3FB4];
	_ =	sdelay $0x3  }
0x37: {  	[smem:$0x3FB4] =	sst s10  }
0x38: {  	s10 =	sld [smem:$0x3FB5]  }
0x39: {  	_ = 	snop;
	(pc) =	sbr.ind lr, $3  }
0x3a: {  	_ = 	snop  }
0x3b: {  	_ = 	snop  }
0x3c: {  	p2 =	seq.s32 s10, $0x1;
	s10 =	sld [smem:$0x3FB4]  }
0x3d: {  	_ =	shalt  }
0x3e: {  	_ =	shalt  }
0x3f: {  	_ =	shalt  }
0x40: {  	_ =	shalt  }
0x41: {  	_ =	shalt  }
0x42: {  	_ =	shalt  }
0x43: {  	_ =	shalt  }
0x44: {  	_ =	shalt  }
0x45: {  	_ =	shalt  }
0x46: {  	_ =	shalt  }
0x47: {  	_ =	shalt  }
0x48: {  	_ =	shalt  }
0x49: {  	_ =	shalt  }
0x4a: {  	_ =	shalt  }
0x4b: {  	_ =	shalt  }
0x4c: {  	_ =	shalt  }
0x4d: {  	_ =	shalt  }
0x4e: {  	_ =	shalt  }
0x4f: {  	_ =	shalt  }
0x50: {  	_ =	shalt  }
0x51: {  	_ =	shalt  }
0x52: {  	_ =	shalt  }
0x53: {  	_ =	shalt  }
0x54: {  	_ =	shalt  }
0x55: {  	_ =	shalt  }
0x56: {  	_ =	shalt  }
0x57: {  	_ =	shalt  }
0x58: {  	_ =	shalt  }
0x59: {  	_ =	shalt  }
0x5a: {  	_ =	shalt  }
0x5b: {  	_ =	shalt  }
0x5c: {  	_ =	shalt  }
0x5d: {  	_ =	shalt  }
0x5e: {  	_ =	shalt  }
0x5f: {  	_ =	shalt  }
0x60: {  	_ =	shalt  }
0x61: {  	_ =	shalt  }
0x62: {  	_ =	shalt  }
0x63: {  	_ =	shalt  }
0x64: {  	_ =	shalt  }
0x65: {  	_ =	shalt  }
0x66: {  	_ =	shalt  }
0x67: {  	_ =	shalt  }
0x68: {  	_ =	shalt  }
0x69: {  	_ =	shalt  }
0x6a: {  	_ =	shalt  }
0x6b: {  	_ =	shalt  }
0x6c: {  	_ =	shalt  }
0x6d: {  	_ =	shalt  }
0x6e: {  	_ =	shalt  }
0x6f: {  	_ =	shalt  }
0x70: {  	_ =	shalt  }
0x71: {  	_ =	shalt  }
0x72: {  	_ =	shalt  }
0x73: {  	_ =	shalt  }
0x74: {  	_ =	shalt  }
0x75: {  	_ =	shalt  }
0x76: {  	_ =	shalt  }
0x77: {  	_ =	shalt  }
0x78: {  	_ =	shalt  }
0x79: {  	_ =	shalt  }
0x7a: {  	_ =	shalt  }
0x7b: {  	_ =	shalt  }
0x7c: {  	_ =	shalt  }
0x7d: {  	_ =	shalt  }
0x7e: {  	_ =	shalt  }
0x7f: {  	_ =	shalt  }
0x80: {  	_ =	shalt  }
0x81: {  	_ =	shalt  }
0x82: {  	_ =	shalt  }
0x83: {  	_ =	shalt  }
0x84: {  	_ =	shalt  }
0x85: {  	_ =	shalt  }
0x86: {  	_ =	shalt  }
0x87: {  	_ =	shalt  }
.Lfunc_end0:
.L_simem_size_0:
called_computation.1_lowered:
.L_overlay_start_0:
0x88: {  	s2 =	sld [smem:$0x3FD9]  }
0x89: {  	s3 =	sld [smem:$0x3FFE];
	_ =	sdelay $0x1  }
0x8a: {  	s1 =	srdreg.scid  }
0x8b: {  	s0 =	sand.u32 $0x1, s1  }
0x8c: {  	s17 =	sshll.u32 s0, $0xA;
	s2 =	sadd.s32 s3, s2  }
0x8d: {  	s2 =	sadd.s32 s2, s17  }
0x8e: {  	[smem:$0x3FC0] =	sst s2  }
0x8f: {  	_ = 	snop  }
0x90: {  	s2 =	sld [smem:$0x3FD0];
	(tm) =	ssettm $0x1  }
0x91: {  	s18 =	sld [smem:$0x3FFB];
	_ =	sdelay $0x3  }
0x92: {  	_ =	strace s18  }
0x93: {  	s3 =	sld [smem:$0x3FFC];
	_ =	sdelay $0x3  }
0x94: {  	_ =	strace s3  }
0x95: {  	s3 =	sld [smem:$0x3FFD];
	_ =	sdelay $0x3  }
0x96: {  	_ =	strace s3  }
0x97: {  	_ =	strace $0x8FFFFFFF  }
0x98: {  	s19 =	sld [smem:$0x3FDB];
	_ =	sdelay $0x1  }
0x99: {  	s4 =	simm.s32 $_scs_section_size  }
0x9a: {  	s5 =	simm.s32 $_size__tile_overlayer_lowered;
	s6 =	simm.s32 $_tile_overlayer_lowered  }
0x9b: {  	s22 =	simm.s32 $0x1BFF;
	s21 =	sshll.u32 s6, $0x1;
	s3 =	sadd.s32 s4, s19  }
0x9c: {  	s7 =	simm.s32 $0x0;
	s20 =	sshll.u32 s5, $0x1;
	s5 =	sadd.s32 s21, s3  }
0x9d: {  	[timem:s7], [sflag:s22] =	dma.local [hbm:s5], s20  }
0x9e: {  	_ =	swait.ge [sflag:s22], s20  }
0x9f: {  	s4 =	ssub.s32 $0x0, s20;
	[sflag:s22] =	ssyncset.done $0x0  }
0xa0: {  	[sflag:s22] =	ssyncadd.s32 s4;
	_ =	sdelay $0x1  }
0xa1: {  	s23 =	simm.s32 $0x1B8B  }
0xa2: {  	_ =	swait.ge [sflag:s23], $0x1  }
0xa3: {  	[sflag:s23] =	ssyncset.done $0x0  }
0xa4: {  	s25 =	simm.s32 $0x1B8E;
	s24 =	sld [smem:$0x3FFE];
	[sflag:s23] =	ssyncadd.s32 $0xFFFFFFFF  }
0xa5: {  	s26 =	simm.s32 $execute0_lowered;
	[smem:$0x3FD2] =	sst s25  }
0xa6: {  	s5 =	sshll.u32 s26, $0x1;
	_ =	strace $0x80000049;
	[dreg:$0x1] =	wrdreg $0xFFFFFFFF  }
0xa7: {  	s28 =	simm.s32 $_size_execute0_lowered;
	s3 =	sadd.s32 s3, s5;
	[dreg:$0x0] =	wrdreg $0x0  }
0xa8: {  	s5 =	sshll.u32 s28, $0x1;
	[dreg:$0x2] =	wrdreg s3  }
0xa9: {  	[dreg:$0x3] =	wrdreg s5  }
0xaa: {  	[dreg:$0x4] =	wrdreg $0xC0  }
0xab: {  	_ =	task [dreg:s7], $0x5FFFF  }
0xac: {  	[dreg:$0x1] =	wrdreg $0xFFFFFFFF  }
0xad: {  	[dreg:$0x0] =	wrdreg $0x60  }
0xae: {  	[dreg:$0x2] =	wrdreg s2  }
0xaf: {  	[dreg:$0x3] =	wrdreg s24  }
0xb0: {  	[dreg:$0x4] =	wrdreg $0x90000  }
0xb1: {  	[dreg:$0x5] =	wrdreg $0x9  }
0xb2: {  	_ =	task.clear_ibuf [dreg:s7], $0x6FFFF;
	_ =	strace $0x90000049  }
0xb3: {  	s29 =	simm.s32 $0x9;
	_ =	strace $0x8000004B  }
0xb4: {  	_ =	swait.ge [sflag:s29], $0x1  }
0xb5: {  	[sflag:s29] =	ssyncadd.s32 $0xFFFFFFFF  }
0xb6: {  	_ =	strace $0x9000004B  }
0xb7: {  	_ =	sfence  }
0xb8: {  	s30 =	sld [smem:$0x0];
	_ =	sdelay $0x2  }
0xb9: {  	s31 =	sshll.u32 s1, $0xD;
	s1 =	sshrl.u32 s1, $0x2  }
0xba: {  	s3 =	sand.u32 $0x4000, s31;
	s1 =	sadd.s32 s1, s30  }
0xbb: {  	s0 =	sor.u32 s3, s0;
	s1 =	sshll.u32 s1, $0x11  }
0xbc: {  	s0 =	sor.u32 s1, s0  }
0xbd: {  	s0 =	sadd.s32 $0x8F2B, s0  }
0xbe: {  	[sflag:s0] =	ssyncadd.remote.s32 $0x1  }
0xbf: {  	_ =	sfence.sel $0xFFFF  }
0xc0: {  	[dreg:$0x0] =	wrdreg $0xFFFFFFFF;
	(pc) =	sbr.abs _section_cstart, $3  }
0xc1: {  	[dreg:$0x1] =	wrdreg $0xFFFFFFFF  }
0xc2: {  	_ =	task.clear_ibuf [dreg:s7], $0x2FFFF;
	_ =	strace $0x9FFFFFFF  }
0xc3: {  	(tm) =	ssettm $0x7FFFFFFF  }
tec
execute0_lowered:
.L_overlay_start_1:
0x0: {  	(tag) =	ssettag $0x1  }
0x1: {  	s7 =	rddreg [dreg:$0x0]  }
0x2: {  	s0 =	srdreg.scid;
	s6 =	rddreg [dreg:$0x1]  }
0x3: {  	s2 =	rddreg [dreg:$0x2];
	s3 =	simm.s32 $0x0;
	s15 =	simm.s32 $0x5000  }
0x4: {  	s16 =	simm.s32 $0x1;
	s5 =	sand.u32 $0x1, s0;
	s0 =	stileid.u32  }
0x5: {  	s17 =	simm.s32 $0x3;
	s19 =	simm.s32 $0x0;
	s9 =	smul.u32 $0x2780, s0  }
0x6: {  	[smem:$0x7FF] =	sst s3;
	s1 =	sshll.u32 s5, $0x4;
	s10 =	smul.u32 $0x27800, s5  }
0x7: {  	s12 =	smul.u32 $0x4F000, s0;
	s5 =	ssub.s32 $0x2, s5;
	s18 =	sshll.u32 s0, $0x6  }
0x8: {  	s4 =	sor.u32 s0, s1;
	s1 =	rddreg [dreg:$0x3];
	_ =	strace $0x8000004A  }
0x9: {  	s29 =	sshrl.u32 s5, $0x1;
	s8 =	smul.u32 $0x500, s4;
	s4 =	sadd.s32 $0x34C00, s6  }
0xa: {  	s13 =	sadd.s32 s9, s6;
	s9 =	sadd.s32 s9, s10;
	s30 =	sshrl.u32 s12, $0x2  }
0xb: {  	s31 =	ssub.s32 s5, s29;
	s12 =	simm.s32 $0x2800;
	s9 =	sadd.s32 s9, s6  }
0xc: {  	s14 =	sadd.s32 s30, s2;
	s5 =	sadd.s32 $0xD400, s13;
	s10 =	smax.u32 s31, $0x1  }
0xd: {  	s13 =	simm.s32 $0x2;
	s11 =	sadd.s32 s8, s6;
	s6 =	sor.u32 $0x1C01, s18  }
0xe: {  	s7 =	sadd.s32 s7, s8;
	s9 =	sadd.s32 $0x5C400, s9;
	s18 =	sor.u32 $0x1C03, s18  }
0xf: {  	s8 =	sadd.s32 $0x3400, s11;
	s11 =	sshrl.u32 s14, $0x3;
	s14 =	simm.s32 $0x80  }
.LBB2_1:
0x10: {  	[spmem:s11], [sflag:s6] =	dma.local [hbm:s5], $0x2780  }
0x11: {  	[tilespmem:s3], [sflag:$0x2] =	stream.linear.gather [hbm4b:s7+s3], $0x2780, $0x38;
	[tilespmem:$0x1CC00] =	vst v63  }
0x12: {  	_ = 	snop  }
0x13: {  	[tilespmem:s12], [sflag:$0x1] =	stream.linear.gather [hbm4b:s8+s3], $0x2780, $0x38;
	[tilespmem:$0x1CC00] =	vst v63  }
0x14: {  	_ =	swait.ge [sflag:s13], $0x2780  }
0x15: {  	[sflag:s13] =	ssyncset.done $0x0  }
0x16: {  	[sflag:s13] =	ssyncadd.s32 $0xFFFFD880  }
0x17: {  	[tilespmem:s15], [sflag:$0x2] =	stream.indirect.gather [hbm4b:s4+s14], $0x80, s3, s14, $0xb8;
	[tilespmem:$0x1CC00] =	vst v63  }
0x18: {  	_ =	swait.ge [sflag:s16], $0x2780  }
0x19: {  	[sflag:s16] =	ssyncset.done $0x0  }
0x1a: {  	[sflag:s16] =	ssyncadd.s32 $0xFFFFD880  }
0x1b: {  	_ =	swait.ge [sflag:s16], $0x2780  }
0x1c: {  	[sflag:s16] =	ssyncset.done $0x0  }
0x1d: {  	[sflag:s16] =	ssyncadd.s32 $0xFFFFD880  }
0x1e: {  	[bflag:$0x0] =	sbarrier.arrive $0xFFFF  }
0x1f: {  	_ =	swait.ge [sflag:s13], $0x4000  }
0x20: {  	[sflag:s13] =	ssyncset.done $0x0  }
0x21: {  	[sflag:s13] =	ssyncadd.s32 $0xFFFFC000  }
0x22: {  	[spmem:s2] =	stream.indirect.scatter.add.f32 [tilespmem:s15], [sflag:$0x3], $0x80, s12, s14, $0xb8;
	[tilespmem:$0x1CC00] =	vst v63  }
0x23: {  	_ =	swait.ge [sflag:s17], $0x4000  }
0x24: {  	[sflag:s17] =	ssyncset.done $0x0  }
0x25: {  	s20 =	simm.s32 $0x80;
	[sflag:s17] =	ssyncadd.s32 $0xFFFFC000  }
0x26: {  	[tilespmem:s15], [sflag:$0x1] =	stream.indirect.gather [hbm4b:s4+s14], $0x80, s20, s14, $0xb8;
	[tilespmem:$0x1CC00] =	vst v63  }
0x27: {  	_ =	swait.ge [sflag:s16], $0x4000  }
0x28: {  	[sflag:s16] =	ssyncset.done $0x0  }
0x29: {  	s31 =	simm.s32 $0x2880;
	[sflag:s16] =	ssyncadd.s32 $0xFFFFC000  }
0x2a: {  	[spmem:s2] =	stream.indirect.scatter.add.f32 [tilespmem:s15], [sflag:$0x3], $0x80, s31, s14, $0xb8;
	[tilespmem:$0x1CC00] =	vst v63  }
0x2b: {  	_ =	swait.ge [sflag:s17], $0x4000  }
0x2c: {  	s21 =	simm.s32 $0x600;
	s20 =	simm.s32 $0x400;
	[sflag:s17] =	ssyncset.done $0x0  }
.LBB2_2:
0x2d: {  	s22 =	sshra.s32 s20, $0x2  }
0x2e: {  	[sflag:s17] =	ssyncadd.s32 $0xFFFFC000;
	s20 =	smov.u32 s21;
	s23 =	sadd.s32 $0x200, s21  }
0x2f: {  	[tilespmem:s15], [sflag:$0x1] =	stream.indirect.gather [hbm4b:s4+s14], $0x80, s22, s14, $0xb8;
	[tilespmem:$0x1CC00] =	vst v63  }
0x30: {  	p0 =	sne.s32 s21, $0x9C00;
	_ =	swait.ge [sflag:s16], $0x4000  }
.Ltmp0:
0x31: {  	[sflag:s16] =	ssyncset.done $0x0;
	(pc) =	sbr.rel @p0 .LBB2_2-.Ltmp0, $4  }
0x32: {  	s21 =	sadd.s32 $0x2800, s22;
	[sflag:s16] =	ssyncadd.s32 $0xFFFFC000  }
0x33: {  	[spmem:s2] =	stream.indirect.scatter.add.f32 [tilespmem:s15], [sflag:$0x3], $0x80, s21, s14, $0xb8;
	[tilespmem:$0x1CC00] =	vst v63  }
0x34: {  	_ =	swait.ge [sflag:s17], $0x4000  }
0x35: {  	s21 =	smov.u32 s23;
	[sflag:s17] =	ssyncset.done $0x0  }
0x36: {  	s20 =	sshra.s32 s20, $0x2;
	[sflag:s17] =	ssyncadd.s32 $0xFFFFC000  }
0x37: {  	[tilespmem:s15], [sflag:$0x1] =	stream.indirect.gather [hbm4b:s4+s14], $0x80, s20, s14, $0xb8;
	[tilespmem:$0x1CC00] =	vst v63  }
0x38: {  	_ =	swait.ge [sflag:s16], $0x4000  }
0x39: {  	[sflag:s16] =	ssyncset.done $0x0  }
0x3a: {  	s20 =	sadd.s32 $0x2800, s20;
	[sflag:s16] =	ssyncadd.s32 $0xFFFFC000  }
0x3b: {  	[spmem:s2] =	stream.indirect.scatter.add.f32 [tilespmem:s15], [sflag:$0x3], $0x80, s20, s14, $0xb8;
	[tilespmem:$0x1CC00] =	vst v63  }
0x3c: {  	_ =	swait.ge [sflag:s17], $0x4000  }
0x3d: {  	s19 =	sadd.s32 $0x1, s19;
	[sflag:s17] =	ssyncset.done $0x0  }
0x3e: {  	p0 =	sne.s32 s19, s10;
	[sflag:s17] =	ssyncadd.s32 $0xFFFFC000  }
.Ltmp1:
0x3f: {  	[bflag:$0x0] =	sbarrier.arrive $0xFFFF;
	(pc) =	sbr.rel @p0 .LBB2_1-.Ltmp1, $4  }
0x40: {  	[hbm:s9], [sflag:s18] =	dma.local [spmem:s11], $0x2780  }
0x41: {  	_ =	swait.ge [sflag:s17], $0x2780  }
0x42: {  	[sflag:s17] =	ssyncset.done $0x0  }
0x43: {  	[sflag:s17] =	ssyncadd.s32 $0xFFFFD880  }
0x44: {  	_ =	sfence.sel $0x180000  }
0x45: {  	[bflag:$0x0] =	sbarrier.arrive $0xFFFF  }
0x46: {  	p0 =	sne.s32 s0, $0x0;
	_ =	strace $0x9000004A  }
0x47: {  	s0 =	sadd.s32 @!p0 $0x100000, s1;
	[bflag:$0x2] =	sbarrier.arrive $0xFFFF  }
0x48: {  	[sflag:s0] =	ssyncadd.tile.s32 @!p0 $0x1;
	_ =	shalt  }
.Lfunc_end2:
_tile_overlayer_lowered:
.L_overlay_start_2:
0x49: {  	(tag) =	ssettag $0x2  }
0x4a: {  	s0 =	rddreg [dreg:$0x0];
	s2 =	stileid.u32  }
0x4b: {  	s1 =	rddreg [dreg:$0x1];
	p0 =	sne.s32 s2, $0x0  }
0x4c: {  	s3 =	rddreg [dreg:$0x2];
	[bflag:$0x3] =	sbarrier.arrive $0xFFFF;
	s2 =	simm.s32 @!p0 $0x1C03  }
0x4d: {  	[timem:s3], [sflag:s2] =	dma.local @!p0 [hbm:s0], s1  }
0x4e: {  	s0 =	simm.s32 @!p0 $0x3  }
0x4f: {  	_ =	swait.ge @!p0 [sflag:s0], s1  }
0x50: {  	s1 =	ssub.s32 @!p0 $0x0, s1;
	[sflag:s0] =	ssyncset.done @!p0 $0x0  }
0x51: {  	[sflag:s0] =	ssyncadd.s32 @!p0 s1  }
0x52: {  	[bflag:$0x3] =	sbarrier.arrive $0xFFFF  }
0x53: {  	_ =	shalt  }

// kernel: kernel.17.cloned.1.call-start
scs
__scs_entry_jumppad:
0x0: {  	(pc) =	sbr.rel $0x88, $3  }
0x1: {  	(tag) =	ssettag $0x0;
	lr =	simm.s32 $0x1  }
0x2: {  	[smem:$0x3F99] =	sst lr;
	_ =	strace $0xD0000000  }
0x3: {  	_ = 	snop  }
0x4: {  	_ = 	snop  }
0x5: {  	_ = 	snop  }
0x6: {  	_ = 	snop  }
0x7: {  	_ = 	snop  }
__scs_overlays_trampoline_lowered:
0x8: {  	[smem:$0x3FA8] =	sst s0  }
0x9: {  	[smem:$0x3FA9] =	sst s1  }
0xa: {  	[smem:$0x3FAA] =	sst s2  }
0xb: {  	[smem:$0x3FAB] =	sst s3  }
0xc: {  	[smem:$0x3FAC] =	sst s4  }
0xd: {  	[smem:$0x3FAD] =	sst s5  }
0xe: {  	[smem:$0x3FAE] =	sst s6  }
0xf: {  	[smem:$0x3FAF] =	sst s7  }
0x10: {  	[smem:$0x3FB0] =	sst s8  }
0x11: {  	[smem:$0x3FB1] =	sst s9;
	s0 =	simm.s32 @!p0 $0x0  }
0x12: {  	s1 =	sld [smem:$0x3F97];
	s0 =	simm.s32 @p0 $0x1  }
0x13: {  	[smem:$0x3FB2] =	sst s0;
	s0 =	simm.s32 @!p1 $0x0  }
0x14: {  	s2 =	sld [smem:$0x3F96];
	s0 =	simm.s32 @p1 $0x1  }
0x15: {  	[smem:$0x3FB3] =	sst s0;
	s0 =	simm.s32 @!p2 $0x0  }
0x16: {  	s3 =	sld [smem:$0x3FDB];
	s0 =	simm.s32 @p2 $0x1  }
0x17: {  	s4 =	simm.s32 $0x1BF5;
	[smem:$0x3FB5] =	sst s0  }
0x18: {  	s0 =	sld [smem:$0x3F98];
	_ =	swait.ge [sflag:s4], $0x0  }
0x19: {  	s7 =	sld [smem:$0x3F99]  }
0x1a: {  	s8 =	sadd.s32 $0xFFFFE003, lr  }
0x1b: {  	s9 =	sadd.s32 $0xFFFFFEF7, lr;
	s5 =	simm.s32 $0xFFFFFFFF;
	p2 =	slt.u32 s8, $0xFFFFF086  }
0x1c: {  	p1 =	slt.u32 s9, $0xF7A;
	s5 =	simm.s32 @!p2 $0x0  }
0x1d: {  	s5 =	simm.s32 @p1 $0x1;
	p0 =	seq.s32 s7, s2  }
0x1e: {  	s7 =	smul.u32 @!p0 $0xF7A, s2;
	p2 =	seq.s32 @!p0 s5, $0x0  }
0x1f: {  	s9 =	smul.u32 $0xF7A, s1;
	s8 =	simm.s32 @!p0 $0x1BF5;
	p2 =	por !p2, p0  }
0x20: {  	[sflag:s8] =	ssyncset.s32 @!p0 $0xFFFFF086;
	s6 =	sadd.s32 @!p0 s3, s7;
	s7 =	simm.s32 @!p0 $0x108  }
0x21: {  	s3 =	sadd.s32 s3, s9;
	s6 =	sadd.s32 @!p0 $0x88, s6;
	s7 =	simm.s32 @p2 $0x1082  }
0x22: {  	[simem:s7], [sflag:s8] =	dma.local @!p0 [hbm:s6], $0xF7A  }
0x23: {  	s9 =	sor.u32 $0xD0000000, s2;
	s6 =	simm.s32 $0x108;
	_ =	swait.ge @!p0 [sflag:s8], $0x0  }
0x24: {  	s3 =	sadd.s32 $0x88, s3;
	s6 =	simm.s32 @!p1 $0x1082;
	[sflag:s4] =	ssyncset.s32 $0xFFFFF086  }
0x25: {  	[simem:s6], [sflag:s4] =	dma.local [hbm:s3], $0xF7A  }
0x26: {  	[smem:$0x3F99] =	sst s1;
	(tag) =	ssettag s2;
	_ =	strace s9  }
0x27: {  	s1 =	sld [smem:$0x3FA9]  }
0x28: {  	s2 =	sld [smem:$0x3FAA]  }
0x29: {  	s4 =	sld [smem:$0x3FAC]  }
0x2a: {  	p0 =	seq.s32 s5, $0x0;
	s5 =	sld [smem:$0x3FAD]  }
0x2b: {  	s6 =	sld [smem:$0x3FAE]  }
0x2c: {  	s7 =	sld [smem:$0x3FAF]  }
0x2d: {  	s3 =	simm.s32 $0x108;
	s8 =	sld [smem:$0x3FB0]  }
0x2e: {  	s3 =	simm.s32 @!p0 $0x1082;
	s9 =	sld [smem:$0x3FB1]  }
0x2f: {  	lr =	sadd.s32 s0, s3;
	s0 =	sld [smem:$0x3FA8]  }
0x30: {  	s3 =	sld [smem:$0x3FAB]  }
0x31: {  	[smem:$0x3FB4] =	sst s10  }
0x32: {  	s10 =	sld [smem:$0x3FB2];
	_ =	sdelay $0x3  }
0x33: {  	p0 =	seq.s32 s10, $0x1;
	s10 =	sld [smem:$0x3FB4];
	_ =	sdelay $0x3  }
0x34: {  	[smem:$0x3FB4] =	sst s10  }
0x35: {  	s10 =	sld [smem:$0x3FB3];
	_ =	sdelay $0x3  }
0x36: {  	p1 =	seq.s32 s10, $0x1;
	s10 =	sld [smem:$0x3FB4];
	_ =	sdelay $0x3  }
0x37: {  	[smem:$0x3FB4] =	sst s10  }
0x38: {  	s10 =	sld [smem:$0x3FB5]  }
0x39: {  	_ = 	snop;
	(pc) =	sbr.ind lr, $3  }
0x3a: {  	_ = 	snop  }
0x3b: {  	_ = 	snop  }
0x3c: {  	p2 =	seq.s32 s10, $0x1;
	s10 =	sld [smem:$0x3FB4]  }
0x3d: {  	_ =	shalt  }
0x3e: {  	_ =	shalt  }
0x3f: {  	_ =	shalt  }
0x40: {  	_ =	shalt  }
0x41: {  	_ =	shalt  }
0x42: {  	_ =	shalt  }
0x43: {  	_ =	shalt  }
0x44: {  	_ =	shalt  }
0x45: {  	_ =	shalt  }
0x46: {  	_ =	shalt  }
0x47: {  	_ =	shalt  }
0x48: {  	_ =	shalt  }
0x49: {  	_ =	shalt  }
0x4a: {  	_ =	shalt  }
0x4b: {  	_ =	shalt  }
0x4c: {  	_ =	shalt  }
0x4d: {  	_ =	shalt  }
0x4e: {  	_ =	shalt  }
0x4f: {  	_ =	shalt  }
0x50: {  	_ =	shalt  }
0x51: {  	_ =	shalt  }
0x52: {  	_ =	shalt  }
0x53: {  	_ =	shalt  }
0x54: {  	_ =	shalt  }
0x55: {  	_ =	shalt  }
0x56: {  	_ =	shalt  }
0x57: {  	_ =	shalt  }
0x58: {  	_ =	shalt  }
0x59: {  	_ =	shalt  }
0x5a: {  	_ =	shalt  }
0x5b: {  	_ =	shalt  }
0x5c: {  	_ =	shalt  }
0x5d: {  	_ =	shalt  }
0x5e: {  	_ =	shalt  }
0x5f: {  	_ =	shalt  }
0x60: {  	_ =	shalt  }
0x61: {  	_ =	shalt  }
0x62: {  	_ =	shalt  }
0x63: {  	_ =	shalt  }
0x64: {  	_ =	shalt  }
0x65: {  	_ =	shalt  }
0x66: {  	_ =	shalt  }
0x67: {  	_ =	shalt  }
0x68: {  	_ =	shalt  }
0x69: {  	_ =	shalt  }
0x6a: {  	_ =	shalt  }
0x6b: {  	_ =	shalt  }
0x6c: {  	_ =	shalt  }
0x6d: {  	_ =	shalt  }
0x6e: {  	_ =	shalt  }
0x6f: {  	_ =	shalt  }
0x70: {  	_ =	shalt  }
0x71: {  	_ =	shalt  }
0x72: {  	_ =	shalt  }
0x73: {  	_ =	shalt  }
0x74: {  	_ =	shalt  }
0x75: {  	_ =	shalt  }
0x76: {  	_ =	shalt  }
0x77: {  	_ =	shalt  }
0x78: {  	_ =	shalt  }
0x79: {  	_ =	shalt  }
0x7a: {  	_ =	shalt  }
0x7b: {  	_ =	shalt  }
0x7c: {  	_ =	shalt  }
0x7d: {  	_ =	shalt  }
0x7e: {  	_ =	shalt  }
0x7f: {  	_ =	shalt  }
0x80: {  	_ =	shalt  }
0x81: {  	_ =	shalt  }
0x82: {  	_ =	shalt  }
0x83: {  	_ =	shalt  }
0x84: {  	_ =	shalt  }
0x85: {  	_ =	shalt  }
0x86: {  	_ =	shalt  }
0x87: {  	_ =	shalt  }
.Lfunc_end0:
.L_simem_size_0:
called_computation.2_lowered:
.L_overlay_start_0:
0x88: {  	s2 =	sld [smem:$0x3FD9]  }
0x89: {  	s3 =	sld [smem:$0x3FFE];
	_ =	sdelay $0x1  }
0x8a: {  	s1 =	srdreg.scid  }
0x8b: {  	s0 =	sand.u32 $0x1, s1  }
0x8c: {  	s17 =	sshll.u32 s0, $0xA;
	s2 =	sadd.s32 s3, s2  }
0x8d: {  	s2 =	sadd.s32 s2, s17  }
0x8e: {  	[smem:$0x3FC0] =	sst s2  }
0x8f: {  	_ = 	snop  }
0x90: {  	s2 =	sld [smem:$0x3FD0];
	(tm) =	ssettm $0x1  }
0x91: {  	s18 =	sld [smem:$0x3FFB];
	_ =	sdelay $0x3  }
0x92: {  	_ =	strace s18  }
0x93: {  	s3 =	sld [smem:$0x3FFC];
	_ =	sdelay $0x3  }
0x94: {  	_ =	strace s3  }
0x95: {  	s3 =	sld [smem:$0x3FFD];
	_ =	sdelay $0x3  }
0x96: {  	_ =	strace s3  }
0x97: {  	_ =	strace $0x8FFFFFFF  }
0x98: {  	s19 =	sld [smem:$0x3FDB];
	_ =	sdelay $0x1  }
0x99: {  	s4 =	simm.s32 $_scs_section_size  }
0x9a: {  	s5 =	simm.s32 $_size__tile_overlayer_lowered;
	s6 =	simm.s32 $_tile_overlayer_lowered  }
0x9b: {  	s22 =	simm.s32 $0x1BFF;
	s21 =	sshll.u32 s6, $0x1;
	s3 =	sadd.s32 s4, s19  }
0x9c: {  	s7 =	simm.s32 $0x0;
	s20 =	sshll.u32 s5, $0x1;
	s5 =	sadd.s32 s21, s3  }
0x9d: {  	[timem:s7], [sflag:s22] =	dma.local [hbm:s5], s20  }
0x9e: {  	_ =	swait.ge [sflag:s22], s20  }
0x9f: {  	s4 =	ssub.s32 $0x0, s20;
	[sflag:s22] =	ssyncset.done $0x0  }
0xa0: {  	[sflag:s22] =	ssyncadd.s32 s4;
	_ =	sdelay $0x1  }
0xa1: {  	s23 =	simm.s32 $0x1B8B  }
0xa2: {  	_ =	swait.ge [sflag:s23], $0x1  }
0xa3: {  	[sflag:s23] =	ssyncset.done $0x0  }
0xa4: {  	s25 =	simm.s32 $0x1B8E;
	s24 =	sld [smem:$0x3FFE];
	[sflag:s23] =	ssyncadd.s32 $0xFFFFFFFF  }
0xa5: {  	s26 =	simm.s32 $execute0_lowered;
	[smem:$0x3FD2] =	sst s25  }
0xa6: {  	s5 =	sshll.u32 s26, $0x1;
	_ =	strace $0x8000004C;
	[dreg:$0x1] =	wrdreg $0xFFFFFFFF  }
0xa7: {  	s28 =	simm.s32 $_size_execute0_lowered;
	s3 =	sadd.s32 s3, s5;
	[dreg:$0x0] =	wrdreg $0x0  }
0xa8: {  	s5 =	sshll.u32 s28, $0x1;
	[dreg:$0x2] =	wrdreg s3  }
0xa9: {  	[dreg:$0x3] =	wrdreg s5  }
0xaa: {  	[dreg:$0x4] =	wrdreg $0xC0  }
0xab: {  	_ =	task [dreg:s7], $0x5FFFF  }
0xac: {  	[dreg:$0x1] =	wrdreg $0xFFFFFFFF  }
0xad: {  	[dreg:$0x0] =	wrdreg $0x60  }
0xae: {  	[dreg:$0x2] =	wrdreg s2  }
0xaf: {  	[dreg:$0x3] =	wrdreg s24  }
0xb0: {  	[dreg:$0x4] =	wrdreg $0x90000  }
0xb1: {  	[dreg:$0x5] =	wrdreg $0x9  }
0xb2: {  	_ =	task.clear_ibuf [dreg:s7], $0x6FFFF;
	_ =	strace $0x9000004C  }
0xb3: {  	s29 =	simm.s32 $0x9;
	_ =	strace $0x8000004E  }
0xb4: {  	_ =	swait.ge [sflag:s29], $0x1  }
0xb5: {  	[sflag:s29] =	ssyncadd.s32 $0xFFFFFFFF  }
0xb6: {  	_ =	strace $0x9000004E  }
0xb7: {  	_ =	sfence  }
0xb8: {  	s30 =	sld [smem:$0x0];
	_ =	sdelay $0x2  }
0xb9: {  	s31 =	sshll.u32 s1, $0xD;
	s1 =	sshrl.u32 s1, $0x2  }
0xba: {  	s3 =	sand.u32 $0x4000, s31;
	s1 =	sadd.s32 s1, s30  }
0xbb: {  	s0 =	sor.u32 s3, s0;
	s1 =	sshll.u32 s1, $0x11  }
0xbc: {  	s0 =	sor.u32 s1, s0  }
0xbd: {  	s0 =	sadd.s32 $0x8F2B, s0  }
0xbe: {  	[sflag:s0] =	ssyncadd.remote.s32 $0x1  }
0xbf: {  	_ =	sfence.sel $0xFFFF  }
0xc0: {  	[dreg:$0x0] =	wrdreg $0xFFFFFFFF;
	(pc) =	sbr.abs _section_cstart, $3  }
0xc1: {  	[dreg:$0x1] =	wrdreg $0xFFFFFFFF  }
0xc2: {  	_ =	task.clear_ibuf [dreg:s7], $0x2FFFF;
	_ =	strace $0x9FFFFFFF  }
0xc3: {  	(tm) =	ssettm $0x7FFFFFFF  }
tec
execute0_lowered:
.L_overlay_start_1:
0x0: {  	(tag) =	ssettag $0x1  }
0x1: {  	s7 =	rddreg [dreg:$0x0]  }
0x2: {  	s0 =	srdreg.scid;
	s6 =	rddreg [dreg:$0x1]  }
0x3: {  	s2 =	rddreg [dreg:$0x2];
	s3 =	simm.s32 $0x0;
	s15 =	simm.s32 $0x5000  }
0x4: {  	s16 =	simm.s32 $0x1;
	s5 =	sand.u32 $0x1, s0;
	s0 =	stileid.u32  }
0x5: {  	s17 =	simm.s32 $0x3;
	s19 =	simm.s32 $0x0;
	s9 =	smul.u32 $0x2780, s0  }
0x6: {  	[smem:$0x7FF] =	sst s3;
	s1 =	sshll.u32 s5, $0x4;
	s10 =	smul.u32 $0x27800, s5  }
0x7: {  	s12 =	smul.u32 $0x4F000, s0;
	s5 =	ssub.s32 $0x2, s5;
	s18 =	sshll.u32 s0, $0x6  }
0x8: {  	s4 =	sor.u32 s0, s1;
	s1 =	rddreg [dreg:$0x3];
	_ =	strace $0x8000004D  }
0x9: {  	s29 =	sshrl.u32 s5, $0x1;
	s8 =	smul.u32 $0x500, s4;
	s4 =	sadd.s32 $0x34C00, s6  }
0xa: {  	s13 =	sadd.s32 s9, s6;
	s9 =	sadd.s32 s9, s10;
	s30 =	sshrl.u32 s12, $0x2  }
0xb: {  	s31 =	ssub.s32 s5, s29;
	s12 =	simm.s32 $0x2800;
	s9 =	sadd.s32 s9, s6  }
0xc: {  	s14 =	sadd.s32 s30, s2;
	s5 =	sadd.s32 $0xD400, s13;
	s10 =	smax.u32 s31, $0x1  }
0xd: {  	s13 =	simm.s32 $0x2;
	s11 =	sadd.s32 s8, s6;
	s6 =	sor.u32 $0x1C01, s18  }
0xe: {  	s7 =	sadd.s32 s7, s8;
	s9 =	sadd.s32 $0x5C400, s9;
	s18 =	sor.u32 $0x1C03, s18  }
0xf: {  	s8 =	sadd.s32 $0x3400, s11;
	s11 =	sshrl.u32 s14, $0x3;
	s14 =	simm.s32 $0x80  }
.LBB2_1:
0x10: {  	[spmem:s11], [sflag:s6] =	dma.local [hbm:s5], $0x2780  }
0x11: {  	[tilespmem:s3], [sflag:$0x2] =	stream.linear.gather [hbm4b:s7+s3], $0x2780, $0x38;
	[tilespmem:$0x1CC00] =	vst v63  }
0x12: {  	_ = 	snop  }
0x13: {  	[tilespmem:s12], [sflag:$0x1] =	stream.linear.gather [hbm4b:s8+s3], $0x2780, $0x38;
	[tilespmem:$0x1CC00] =	vst v63  }
0x14: {  	_ =	swait.ge [sflag:s13], $0x2780  }
0x15: {  	[sflag:s13] =	ssyncset.done $0x0  }
0x16: {  	[sflag:s13] =	ssyncadd.s32 $0xFFFFD880  }
0x17: {  	[tilespmem:s15], [sflag:$0x2] =	stream.indirect.gather [hbm4b:s4+s14], $0x80, s3, s14, $0xb8;
	[tilespmem:$0x1CC00] =	vst v63  }
0x18: {  	_ =	swait.ge [sflag:s16], $0x2780  }
0x19: {  	[sflag:s16] =	ssyncset.done $0x0  }
0x1a: {  	[sflag:s16] =	ssyncadd.s32 $0xFFFFD880  }
0x1b: {  	_ =	swait.ge [sflag:s16], $0x2780  }
0x1c: {  	[sflag:s16] =	ssyncset.done $0x0  }
0x1d: {  	[sflag:s16] =	ssyncadd.s32 $0xFFFFD880  }
0x1e: {  	[bflag:$0x0] =	sbarrier.arrive $0xFFFF  }
0x1f: {  	_ =	swait.ge [sflag:s13], $0x4000  }
0x20: {  	[sflag:s13] =	ssyncset.done $0x0  }
0x21: {  	[sflag:s13] =	ssyncadd.s32 $0xFFFFC000  }
0x22: {  	[spmem:s2] =	stream.indirect.scatter.add.f32 [tilespmem:s15], [sflag:$0x3], $0x80, s12, s14, $0xb8;
	[tilespmem:$0x1CC00] =	vst v63  }
0x23: {  	_ =	swait.ge [sflag:s17], $0x4000  }
0x24: {  	[sflag:s17] =	ssyncset.done $0x0  }
0x25: {  	s20 =	simm.s32 $0x80;
	[sflag:s17] =	ssyncadd.s32 $0xFFFFC000  }
0x26: {  	[tilespmem:s15], [sflag:$0x1] =	stream.indirect.gather [hbm4b:s4+s14], $0x80, s20, s14, $0xb8;
	[tilespmem:$0x1CC00] =	vst v63  }
0x27: {  	_ =	swait.ge [sflag:s16], $0x4000  }
0x28: {  	[sflag:s16] =	ssyncset.done $0x0  }
0x29: {  	s31 =	simm.s32 $0x2880;
	[sflag:s16] =	ssyncadd.s32 $0xFFFFC000  }
0x2a: {  	[spmem:s2] =	stream.indirect.scatter.add.f32 [tilespmem:s15], [sflag:$0x3], $0x80, s31, s14, $0xb8;
	[tilespmem:$0x1CC00] =	vst v63  }
0x2b: {  	_ =	swait.ge [sflag:s17], $0x4000  }
0x2c: {  	s21 =	simm.s32 $0x600;
	s20 =	simm.s32 $0x400;
	[sflag:s17] =	ssyncset.done $0x0  }
.LBB2_2:
0x2d: {  	s22 =	sshra.s32 s20, $0x2  }
0x2e: {  	[sflag:s17] =	ssyncadd.s32 $0xFFFFC000;
	s20 =	smov.u32 s21;
	s23 =	sadd.s32 $0x200, s21  }
0x2f: {  	[tilespmem:s15], [sflag:$0x1] =	stream.indirect.gather [hbm4b:s4+s14], $0x80, s22, s14, $0xb8;
	[tilespmem:$0x1CC00] =	vst v63  }
0x30: {  	p0 =	sne.s32 s21, $0x9C00;
	_ =	swait.ge [sflag:s16], $0x4000  }
.Ltmp0:
0x31: {  	[sflag:s16] =	ssyncset.done $0x0;
	(pc) =	sbr.rel @p0 .LBB2_2-.Ltmp0, $4  }
0x32: {  	s21 =	sadd.s32 $0x2800, s22;
	[sflag:s16] =	ssyncadd.s32 $0xFFFFC000  }
0x33: {  	[spmem:s2] =	stream.indirect.scatter.add.f32 [tilespmem:s15], [sflag:$0x3], $0x80, s21, s14, $0xb8;
	[tilespmem:$0x1CC00] =	vst v63  }
0x34: {  	_ =	swait.ge [sflag:s17], $0x4000  }
0x35: {  	s21 =	smov.u32 s23;
	[sflag:s17] =	ssyncset.done $0x0  }
0x36: {  	s20 =	sshra.s32 s20, $0x2;
	[sflag:s17] =	ssyncadd.s32 $0xFFFFC000  }
0x37: {  	[tilespmem:s15], [sflag:$0x1] =	stream.indirect.gather [hbm4b:s4+s14], $0x80, s20, s14, $0xb8;
	[tilespmem:$0x1CC00] =	vst v63  }
0x38: {  	_ =	swait.ge [sflag:s16], $0x4000  }
0x39: {  	[sflag:s16] =	ssyncset.done $0x0  }
0x3a: {  	s20 =	sadd.s32 $0x2800, s20;
	[sflag:s16] =	ssyncadd.s32 $0xFFFFC000  }
0x3b: {  	[spmem:s2] =	stream.indirect.scatter.add.f32 [tilespmem:s15], [sflag:$0x3], $0x80, s20, s14, $0xb8;
	[tilespmem:$0x1CC00] =	vst v63  }
0x3c: {  	_ =	swait.ge [sflag:s17], $0x4000  }
0x3d: {  	s19 =	sadd.s32 $0x1, s19;
	[sflag:s17] =	ssyncset.done $0x0  }
0x3e: {  	p0 =	sne.s32 s19, s10;
	[sflag:s17] =	ssyncadd.s32 $0xFFFFC000  }
.Ltmp1:
0x3f: {  	[bflag:$0x0] =	sbarrier.arrive $0xFFFF;
	(pc) =	sbr.rel @p0 .LBB2_1-.Ltmp1, $4  }
0x40: {  	[hbm:s9], [sflag:s18] =	dma.local [spmem:s11], $0x2780  }
0x41: {  	_ =	swait.ge [sflag:s17], $0x2780  }
0x42: {  	[sflag:s17] =	ssyncset.done $0x0  }
0x43: {  	[sflag:s17] =	ssyncadd.s32 $0xFFFFD880  }
0x44: {  	_ =	sfence.sel $0x180000  }
0x45: {  	[bflag:$0x0] =	sbarrier.arrive $0xFFFF  }
0x46: {  	p0 =	sne.s32 s0, $0x0;
	_ =	strace $0x9000004D  }
0x47: {  	s0 =	sadd.s32 @!p0 $0x100000, s1;
	[bflag:$0x2] =	sbarrier.arrive $0xFFFF  }
0x48: {  	[sflag:s0] =	ssyncadd.tile.s32 @!p0 $0x1;
	_ =	shalt  }
.Lfunc_end2:
_tile_overlayer_lowered:
.L_overlay_start_2:
0x49: {  	(tag) =	ssettag $0x2  }
0x4a: {  	s0 =	rddreg [dreg:$0x0];
	s2 =	stileid.u32  }
0x4b: {  	s1 =	rddreg [dreg:$0x1];
	p0 =	sne.s32 s2, $0x0  }
0x4c: {  	s3 =	rddreg [dreg:$0x2];
	[bflag:$0x3] =	sbarrier.arrive $0xFFFF;
	s2 =	simm.s32 @!p0 $0x1C03  }
0x4d: {  	[timem:s3], [sflag:s2] =	dma.local @!p0 [hbm:s0], s1  }
0x4e: {  	s0 =	simm.s32 @!p0 $0x3  }
0x4f: {  	_ =	swait.ge @!p0 [sflag:s0], s1  }
0x50: {  	s1 =	ssub.s32 @!p0 $0x0, s1;
	[sflag:s0] =	ssyncset.done @!p0 $0x0  }
0x51: {  	[sflag:s0] =	ssyncadd.s32 @!p0 s1  }
0x52: {  	[bflag:$0x3] =	sbarrier.arrive $0xFFFF  }
0x53: {  	_ =	shalt  }

// kernel: kernel.20.cloned.1.call-start
scs
__scs_entry_jumppad:
0x0: {  	(pc) =	sbr.rel $0x88, $3  }
0x1: {  	(tag) =	ssettag $0x0;
	lr =	simm.s32 $0x1  }
0x2: {  	[smem:$0x3F99] =	sst lr;
	_ =	strace $0xD0000000  }
0x3: {  	_ = 	snop  }
0x4: {  	_ = 	snop  }
0x5: {  	_ = 	snop  }
0x6: {  	_ = 	snop  }
0x7: {  	_ = 	snop  }
__scs_overlays_trampoline_lowered:
0x8: {  	[smem:$0x3FA8] =	sst s0  }
0x9: {  	[smem:$0x3FA9] =	sst s1  }
0xa: {  	[smem:$0x3FAA] =	sst s2  }
0xb: {  	[smem:$0x3FAB] =	sst s3  }
0xc: {  	[smem:$0x3FAC] =	sst s4  }
0xd: {  	[smem:$0x3FAD] =	sst s5  }
0xe: {  	[smem:$0x3FAE] =	sst s6  }
0xf: {  	[smem:$0x3FAF] =	sst s7  }
0x10: {  	[smem:$0x3FB0] =	sst s8  }
0x11: {  	[smem:$0x3FB1] =	sst s9;
	s0 =	simm.s32 @!p0 $0x0  }
0x12: {  	s1 =	sld [smem:$0x3F97];
	s0 =	simm.s32 @p0 $0x1  }
0x13: {  	[smem:$0x3FB2] =	sst s0;
	s0 =	simm.s32 @!p1 $0x0  }
0x14: {  	s2 =	sld [smem:$0x3F96];
	s0 =	simm.s32 @p1 $0x1  }
0x15: {  	[smem:$0x3FB3] =	sst s0;
	s0 =	simm.s32 @!p2 $0x0  }
0x16: {  	s3 =	sld [smem:$0x3FDB];
	s0 =	simm.s32 @p2 $0x1  }
0x17: {  	s4 =	simm.s32 $0x1BF5;
	[smem:$0x3FB5] =	sst s0  }
0x18: {  	s0 =	sld [smem:$0x3F98];
	_ =	swait.ge [sflag:s4], $0x0  }
0x19: {  	s7 =	sld [smem:$0x3F99]  }
0x1a: {  	s8 =	sadd.s32 $0xFFFFE003, lr  }
0x1b: {  	s9 =	sadd.s32 $0xFFFFFEF7, lr;
	s5 =	simm.s32 $0xFFFFFFFF;
	p2 =	slt.u32 s8, $0xFFFFF086  }
0x1c: {  	p1 =	slt.u32 s9, $0xF7A;
	s5 =	simm.s32 @!p2 $0x0  }
0x1d: {  	s5 =	simm.s32 @p1 $0x1;
	p0 =	seq.s32 s7, s2  }
0x1e: {  	s7 =	smul.u32 @!p0 $0xF7A, s2;
	p2 =	seq.s32 @!p0 s5, $0x0  }
0x1f: {  	s9 =	smul.u32 $0xF7A, s1;
	s8 =	simm.s32 @!p0 $0x1BF5;
	p2 =	por !p2, p0  }
0x20: {  	[sflag:s8] =	ssyncset.s32 @!p0 $0xFFFFF086;
	s6 =	sadd.s32 @!p0 s3, s7;
	s7 =	simm.s32 @!p0 $0x108  }
0x21: {  	s3 =	sadd.s32 s3, s9;
	s6 =	sadd.s32 @!p0 $0x88, s6;
	s7 =	simm.s32 @p2 $0x1082  }
0x22: {  	[simem:s7], [sflag:s8] =	dma.local @!p0 [hbm:s6], $0xF7A  }
0x23: {  	s9 =	sor.u32 $0xD0000000, s2;
	s6 =	simm.s32 $0x108;
	_ =	swait.ge @!p0 [sflag:s8], $0x0  }
0x24: {  	s3 =	sadd.s32 $0x88, s3;
	s6 =	simm.s32 @!p1 $0x1082;
	[sflag:s4] =	ssyncset.s32 $0xFFFFF086  }
0x25: {  	[simem:s6], [sflag:s4] =	dma.local [hbm:s3], $0xF7A  }
0x26: {  	[smem:$0x3F99] =	sst s1;
	(tag) =	ssettag s2;
	_ =	strace s9  }
0x27: {  	s1 =	sld [smem:$0x3FA9]  }
0x28: {  	s2 =	sld [smem:$0x3FAA]  }
0x29: {  	s4 =	sld [smem:$0x3FAC]  }
0x2a: {  	p0 =	seq.s32 s5, $0x0;
	s5 =	sld [smem:$0x3FAD]  }
0x2b: {  	s6 =	sld [smem:$0x3FAE]  }
0x2c: {  	s7 =	sld [smem:$0x3FAF]  }
0x2d: {  	s3 =	simm.s32 $0x108;
	s8 =	sld [smem:$0x3FB0]  }
0x2e: {  	s3 =	simm.s32 @!p0 $0x1082;
	s9 =	sld [smem:$0x3FB1]  }
0x2f: {  	lr =	sadd.s32 s0, s3;
	s0 =	sld [smem:$0x3FA8]  }
0x30: {  	s3 =	sld [smem:$0x3FAB]  }
0x31: {  	[smem:$0x3FB4] =	sst s10  }
0x32: {  	s10 =	sld [smem:$0x3FB2];
	_ =	sdelay $0x3  }
0x33: {  	p0 =	seq.s32 s10, $0x1;
	s10 =	sld [smem:$0x3FB4];
	_ =	sdelay $0x3  }
0x34: {  	[smem:$0x3FB4] =	sst s10  }
0x35: {  	s10 =	sld [smem:$0x3FB3];
	_ =	sdelay $0x3  }
0x36: {  	p1 =	seq.s32 s10, $0x1;
	s10 =	sld [smem:$0x3FB4];
	_ =	sdelay $0x3  }
0x37: {  	[smem:$0x3FB4] =	sst s10  }
0x38: {  	s10 =	sld [smem:$0x3FB5]  }
0x39: {  	_ = 	snop;
	(pc) =	sbr.ind lr, $3  }
0x3a: {  	_ = 	snop  }
0x3b: {  	_ = 	snop  }
0x3c: {  	p2 =	seq.s32 s10, $0x1;
	s10 =	sld [smem:$0x3FB4]  }
0x3d: {  	_ =	shalt  }
0x3e: {  	_ =	shalt  }
0x3f: {  	_ =	shalt  }
0x40: {  	_ =	shalt  }
0x41: {  	_ =	shalt  }
0x42: {  	_ =	shalt  }
0x43: {  	_ =	shalt  }
0x44: {  	_ =	shalt  }
0x45: {  	_ =	shalt  }
0x46: {  	_ =	shalt  }
0x47: {  	_ =	shalt  }
0x48: {  	_ =	shalt  }
0x49: {  	_ =	shalt  }
0x4a: {  	_ =	shalt  }
0x4b: {  	_ =	shalt  }
0x4c: {  	_ =	shalt  }
0x4d: {  	_ =	shalt  }
0x4e: {  	_ =	shalt  }
0x4f: {  	_ =	shalt  }
0x50: {  	_ =	shalt  }
0x51: {  	_ =	shalt  }
0x52: {  	_ =	shalt  }
0x53: {  	_ =	shalt  }
0x54: {  	_ =	shalt  }
0x55: {  	_ =	shalt  }
0x56: {  	_ =	shalt  }
0x57: {  	_ =	shalt  }
0x58: {  	_ =	shalt  }
0x59: {  	_ =	shalt  }
0x5a: {  	_ =	shalt  }
0x5b: {  	_ =	shalt  }
0x5c: {  	_ =	shalt  }
0x5d: {  	_ =	shalt  }
0x5e: {  	_ =	shalt  }
0x5f: {  	_ =	shalt  }
0x60: {  	_ =	shalt  }
0x61: {  	_ =	shalt  }
0x62: {  	_ =	shalt  }
0x63: {  	_ =	shalt  }
0x64: {  	_ =	shalt  }
0x65: {  	_ =	shalt  }
0x66: {  	_ =	shalt  }
0x67: {  	_ =	shalt  }
0x68: {  	_ =	shalt  }
0x69: {  	_ =	shalt  }
0x6a: {  	_ =	shalt  }
0x6b: {  	_ =	shalt  }
0x6c: {  	_ =	shalt  }
0x6d: {  	_ =	shalt  }
0x6e: {  	_ =	shalt  }
0x6f: {  	_ =	shalt  }
0x70: {  	_ =	shalt  }
0x71: {  	_ =	shalt  }
0x72: {  	_ =	shalt  }
0x73: {  	_ =	shalt  }
0x74: {  	_ =	shalt  }
0x75: {  	_ =	shalt  }
0x76: {  	_ =	shalt  }
0x77: {  	_ =	shalt  }
0x78: {  	_ =	shalt  }
0x79: {  	_ =	shalt  }
0x7a: {  	_ =	shalt  }
0x7b: {  	_ =	shalt  }
0x7c: {  	_ =	shalt  }
0x7d: {  	_ =	shalt  }
0x7e: {  	_ =	shalt  }
0x7f: {  	_ =	shalt  }
0x80: {  	_ =	shalt  }
0x81: {  	_ =	shalt  }
0x82: {  	_ =	shalt  }
0x83: {  	_ =	shalt  }
0x84: {  	_ =	shalt  }
0x85: {  	_ =	shalt  }
0x86: {  	_ =	shalt  }
0x87: {  	_ =	shalt  }
.Lfunc_end0:
.L_simem_size_0:
called_computation.3_lowered:
.L_overlay_start_0:
0x88: {  	s2 =	sld [smem:$0x3FD9]  }
0x89: {  	s3 =	sld [smem:$0x3FFE];
	_ =	sdelay $0x1  }
0x8a: {  	s1 =	srdreg.scid  }
0x8b: {  	s0 =	sand.u32 $0x1, s1  }
0x8c: {  	s17 =	sshll.u32 s0, $0xA;
	s2 =	sadd.s32 s3, s2  }
0x8d: {  	s2 =	sadd.s32 s2, s17  }
0x8e: {  	[smem:$0x3FC0] =	sst s2  }
0x8f: {  	_ = 	snop  }
0x90: {  	s2 =	sld [smem:$0x3FD0];
	(tm) =	ssettm $0x1  }
0x91: {  	s18 =	sld [smem:$0x3FFB];
	_ =	sdelay $0x3  }
0x92: {  	_ =	strace s18  }
0x93: {  	s3 =	sld [smem:$0x3FFC];
	_ =	sdelay $0x3  }
0x94: {  	_ =	strace s3  }
0x95: {  	s3 =	sld [smem:$0x3FFD];
	_ =	sdelay $0x3  }
0x96: {  	_ =	strace s3  }
0x97: {  	_ =	strace $0x8FFFFFFF  }
0x98: {  	s19 =	sld [smem:$0x3FDB];
	_ =	sdelay $0x1  }
0x99: {  	s4 =	simm.s32 $_scs_section_size  }
0x9a: {  	s5 =	simm.s32 $_size__tile_overlayer_lowered;
	s6 =	simm.s32 $_tile_overlayer_lowered  }
0x9b: {  	s22 =	simm.s32 $0x1BFF;
	s21 =	sshll.u32 s6, $0x1;
	s3 =	sadd.s32 s4, s19  }
0x9c: {  	s7 =	simm.s32 $0x0;
	s20 =	sshll.u32 s5, $0x1;
	s5 =	sadd.s32 s21, s3  }
0x9d: {  	[timem:s7], [sflag:s22] =	dma.local [hbm:s5], s20  }
0x9e: {  	_ =	swait.ge [sflag:s22], s20  }
0x9f: {  	s4 =	ssub.s32 $0x0, s20;
	[sflag:s22] =	ssyncset.done $0x0  }
0xa0: {  	[sflag:s22] =	ssyncadd.s32 s4;
	_ =	sdelay $0x1  }
0xa1: {  	s23 =	simm.s32 $0x1B8B  }
0xa2: {  	_ =	swait.ge [sflag:s23], $0x1  }
0xa3: {  	[sflag:s23] =	ssyncset.done $0x0  }
0xa4: {  	s25 =	simm.s32 $0x1B8E;
	s24 =	sld [smem:$0x3FFE];
	[sflag:s23] =	ssyncadd.s32 $0xFFFFFFFF  }
0xa5: {  	s26 =	simm.s32 $execute0_lowered;
	[smem:$0x3FD2] =	sst s25  }
0xa6: {  	s5 =	sshll.u32 s26, $0x1;
	_ =	strace $0x8000004F;
	[dreg:$0x1] =	wrdreg $0xFFFFFFFF  }
0xa7: {  	s28 =	simm.s32 $_size_execute0_lowered;
	s3 =	sadd.s32 s3, s5;
	[dreg:$0x0] =	wrdreg $0x0  }
0xa8: {  	s5 =	sshll.u32 s28, $0x1;
	[dreg:$0x2] =	wrdreg s3  }
0xa9: {  	[dreg:$0x3] =	wrdreg s5  }
0xaa: {  	[dreg:$0x4] =	wrdreg $0xC0  }
0xab: {  	_ =	task [dreg:s7], $0x5FFFF  }
0xac: {  	[dreg:$0x1] =	wrdreg $0xFFFFFFFF  }
0xad: {  	[dreg:$0x0] =	wrdreg $0x60  }
0xae: {  	[dreg:$0x2] =	wrdreg s2  }
0xaf: {  	[dreg:$0x3] =	wrdreg s24  }
0xb0: {  	[dreg:$0x4] =	wrdreg $0x90000  }
0xb1: {  	[dreg:$0x5] =	wrdreg $0x9  }
0xb2: {  	_ =	task.clear_ibuf [dreg:s7], $0x6FFFF;
	_ =	strace $0x9000004F  }
0xb3: {  	s29 =	simm.s32 $0x9;
	_ =	strace $0x80000051  }
0xb4: {  	_ =	swait.ge [sflag:s29], $0x1  }
0xb5: {  	[sflag:s29] =	ssyncadd.s32 $0xFFFFFFFF  }
0xb6: {  	_ =	strace $0x90000051  }
0xb7: {  	_ =	sfence  }
0xb8: {  	s30 =	sld [smem:$0x0];
	_ =	sdelay $0x2  }
0xb9: {  	s31 =	sshll.u32 s1, $0xD;
	s1 =	sshrl.u32 s1, $0x2  }
0xba: {  	s3 =	sand.u32 $0x4000, s31;
	s1 =	sadd.s32 s1, s30  }
0xbb: {  	s0 =	sor.u32 s3, s0;
	s1 =	sshll.u32 s1, $0x11  }
0xbc: {  	s0 =	sor.u32 s1, s0  }
0xbd: {  	s0 =	sadd.s32 $0x8F2B, s0  }
0xbe: {  	[sflag:s0] =	ssyncadd.remote.s32 $0x1  }
0xbf: {  	_ =	sfence.sel $0xFFFF  }
0xc0: {  	[dreg:$0x0] =	wrdreg $0xFFFFFFFF;
	(pc) =	sbr.abs _section_cstart, $3  }
0xc1: {  	[dreg:$0x1] =	wrdreg $0xFFFFFFFF  }
0xc2: {  	_ =	task.clear_ibuf [dreg:s7], $0x2FFFF;
	_ =	strace $0x9FFFFFFF  }
0xc3: {  	(tm) =	ssettm $0x7FFFFFFF  }
tec
execute0_lowered:
.L_overlay_start_1:
0x0: {  	(tag) =	ssettag $0x1  }
0x1: {  	s7 =	rddreg [dreg:$0x0]  }
0x2: {  	s0 =	srdreg.scid;
	s6 =	rddreg [dreg:$0x1]  }
0x3: {  	s2 =	rddreg [dreg:$0x2];
	s3 =	simm.s32 $0x0;
	s15 =	simm.s32 $0x5000  }
0x4: {  	s16 =	simm.s32 $0x1;
	s5 =	sand.u32 $0x1, s0;
	s0 =	stileid.u32  }
0x5: {  	s17 =	simm.s32 $0x3;
	s19 =	simm.s32 $0x0;
	s9 =	smul.u32 $0x2780, s0  }
0x6: {  	[smem:$0x7FF] =	sst s3;
	s1 =	sshll.u32 s5, $0x4;
	s10 =	smul.u32 $0x27800, s5  }
0x7: {  	s12 =	smul.u32 $0x4F000, s0;
	s5 =	ssub.s32 $0x2, s5;
	s18 =	sshll.u32 s0, $0x6  }
0x8: {  	s4 =	sor.u32 s0, s1;
	s1 =	rddreg [dreg:$0x3];
	_ =	strace $0x80000050  }
0x9: {  	s29 =	sshrl.u32 s5, $0x1;
	s8 =	smul.u32 $0x500, s4;
	s4 =	sadd.s32 $0x34C00, s6  }
0xa: {  	s13 =	sadd.s32 s9, s6;
	s9 =	sadd.s32 s9, s10;
	s30 =	sshrl.u32 s12, $0x2  }
0xb: {  	s31 =	ssub.s32 s5, s29;
	s12 =	simm.s32 $0x2800;
	s9 =	sadd.s32 s9, s6  }
0xc: {  	s14 =	sadd.s32 s30, s2;
	s5 =	sadd.s32 $0xD400, s13;
	s10 =	smax.u32 s31, $0x1  }
0xd: {  	s13 =	simm.s32 $0x2;
	s11 =	sadd.s32 s8, s6;
	s6 =	sor.u32 $0x1C01, s18  }
0xe: {  	s7 =	sadd.s32 s7, s8;
	s9 =	sadd.s32 $0x5C400, s9;
	s18 =	sor.u32 $0x1C03, s18  }
0xf: {  	s8 =	sadd.s32 $0x3400, s11;
	s11 =	sshrl.u32 s14, $0x3;
	s14 =	simm.s32 $0x80  }
.LBB2_1:
0x10: {  	[spmem:s11], [sflag:s6] =	dma.local [hbm:s5], $0x2780  }
0x11: {  	[tilespmem:s3], [sflag:$0x2] =	stream.linear.gather [hbm4b:s7+s3], $0x2780, $0x38;
	[tilespmem:$0x1CC00] =	vst v63  }
0x12: {  	_ = 	snop  }
0x13: {  	[tilespmem:s12], [sflag:$0x1] =	stream.linear.gather [hbm4b:s8+s3], $0x2780, $0x38;
	[tilespmem:$0x1CC00] =	vst v63  }
0x14: {  	_ =	swait.ge [sflag:s13], $0x2780  }
0x15: {  	[sflag:s13] =	ssyncset.done $0x0  }
0x16: {  	[sflag:s13] =	ssyncadd.s32 $0xFFFFD880  }
0x17: {  	[tilespmem:s15], [sflag:$0x2] =	stream.indirect.gather [hbm4b:s4+s14], $0x80, s3, s14, $0xb8;
	[tilespmem:$0x1CC00] =	vst v63  }
0x18: {  	_ =	swait.ge [sflag:s16], $0x2780  }
0x19: {  	[sflag:s16] =	ssyncset.done $0x0  }
0x1a: {  	[sflag:s16] =	ssyncadd.s32 $0xFFFFD880  }
0x1b: {  	_ =	swait.ge [sflag:s16], $0x2780  }
0x1c: {  	[sflag:s16] =	ssyncset.done $0x0  }
0x1d: {  	[sflag:s16] =	ssyncadd.s32 $0xFFFFD880  }
0x1e: {  	[bflag:$0x0] =	sbarrier.arrive $0xFFFF  }
0x1f: {  	_ =	swait.ge [sflag:s13], $0x4000  }
0x20: {  	[sflag:s13] =	ssyncset.done $0x0  }
0x21: {  	[sflag:s13] =	ssyncadd.s32 $0xFFFFC000  }
0x22: {  	[spmem:s2] =	stream.indirect.scatter.add.f32 [tilespmem:s15], [sflag:$0x3], $0x80, s12, s14, $0xb8;
	[tilespmem:$0x1CC00] =	vst v63  }
0x23: {  	_ =	swait.ge [sflag:s17], $0x4000  }
0x24: {  	[sflag:s17] =	ssyncset.done $0x0  }
0x25: {  	s20 =	simm.s32 $0x80;
	[sflag:s17] =	ssyncadd.s32 $0xFFFFC000  }
0x26: {  	[tilespmem:s15], [sflag:$0x1] =	stream.indirect.gather [hbm4b:s4+s14], $0x80, s20, s14, $0xb8;
	[tilespmem:$0x1CC00] =	vst v63  }
0x27: {  	_ =	swait.ge [sflag:s16], $0x4000  }
0x28: {  	[sflag:s16] =	ssyncset.done $0x0  }
0x29: {  	s31 =	simm.s32 $0x2880;
	[sflag:s16] =	ssyncadd.s32 $0xFFFFC000  }
0x2a: {  	[spmem:s2] =	stream.indirect.scatter.add.f32 [tilespmem:s15], [sflag:$0x3], $0x80, s31, s14, $0xb8;
	[tilespmem:$0x1CC00] =	vst v63  }
0x2b: {  	_ =	swait.ge [sflag:s17], $0x4000  }
0x2c: {  	s21 =	simm.s32 $0x600;
	s20 =	simm.s32 $0x400;
	[sflag:s17] =	ssyncset.done $0x0  }
.LBB2_2:
0x2d: {  	s22 =	sshra.s32 s20, $0x2  }
0x2e: {  	[sflag:s17] =	ssyncadd.s32 $0xFFFFC000;
	s20 =	smov.u32 s21;
	s23 =	sadd.s32 $0x200, s21  }
0x2f: {  	[tilespmem:s15], [sflag:$0x1] =	stream.indirect.gather [hbm4b:s4+s14], $0x80, s22, s14, $0xb8;
	[tilespmem:$0x1CC00] =	vst v63  }
0x30: {  	p0 =	sne.s32 s21, $0x9C00;
	_ =	swait.ge [sflag:s16], $0x4000  }
.Ltmp0:
0x31: {  	[sflag:s16] =	ssyncset.done $0x0;
	(pc) =	sbr.rel @p0 .LBB2_2-.Ltmp0, $4  }
0x32: {  	s21 =	sadd.s32 $0x2800, s22;
	[sflag:s16] =	ssyncadd.s32 $0xFFFFC000  }
0x33: {  	[spmem:s2] =	stream.indirect.scatter.add.f32 [tilespmem:s15], [sflag:$0x3], $0x80, s21, s14, $0xb8;
	[tilespmem:$0x1CC00] =	vst v63  }
0x34: {  	_ =	swait.ge [sflag:s17], $0x4000  }
0x35: {  	s21 =	smov.u32 s23;
	[sflag:s17] =	ssyncset.done $0x0  }
0x36: {  	s20 =	sshra.s32 s20, $0x2;
	[sflag:s17] =	ssyncadd.s32 $0xFFFFC000  }
0x37: {  	[tilespmem:s15], [sflag:$0x1] =	stream.indirect.gather [hbm4b:s4+s14], $0x80, s20, s14, $0xb8;
	[tilespmem:$0x1CC00] =	vst v63  }
0x38: {  	_ =	swait.ge [sflag:s16], $0x4000  }
0x39: {  	[sflag:s16] =	ssyncset.done $0x0  }
0x3a: {  	s20 =	sadd.s32 $0x2800, s20;
	[sflag:s16] =	ssyncadd.s32 $0xFFFFC000  }
0x3b: {  	[spmem:s2] =	stream.indirect.scatter.add.f32 [tilespmem:s15], [sflag:$0x3], $0x80, s20, s14, $0xb8;
	[tilespmem:$0x1CC00] =	vst v63  }
0x3c: {  	_ =	swait.ge [sflag:s17], $0x4000  }
0x3d: {  	s19 =	sadd.s32 $0x1, s19;
	[sflag:s17] =	ssyncset.done $0x0  }
0x3e: {  	p0 =	sne.s32 s19, s10;
	[sflag:s17] =	ssyncadd.s32 $0xFFFFC000  }
.Ltmp1:
0x3f: {  	[bflag:$0x0] =	sbarrier.arrive $0xFFFF;
	(pc) =	sbr.rel @p0 .LBB2_1-.Ltmp1, $4  }
0x40: {  	[hbm:s9], [sflag:s18] =	dma.local [spmem:s11], $0x2780  }
0x41: {  	_ =	swait.ge [sflag:s17], $0x2780  }
0x42: {  	[sflag:s17] =	ssyncset.done $0x0  }
0x43: {  	[sflag:s17] =	ssyncadd.s32 $0xFFFFD880  }
0x44: {  	_ =	sfence.sel $0x180000  }
0x45: {  	[bflag:$0x0] =	sbarrier.arrive $0xFFFF  }
0x46: {  	p0 =	sne.s32 s0, $0x0;
	_ =	strace $0x90000050  }
0x47: {  	s0 =	sadd.s32 @!p0 $0x100000, s1;
	[bflag:$0x2] =	sbarrier.arrive $0xFFFF  }
0x48: {  	[sflag:s0] =	ssyncadd.tile.s32 @!p0 $0x1;
	_ =	shalt  }
.Lfunc_end2:
_tile_overlayer_lowered:
.L_overlay_start_2:
0x49: {  	(tag) =	ssettag $0x2  }
0x4a: {  	s0 =	rddreg [dreg:$0x0];
	s2 =	stileid.u32  }
0x4b: {  	s1 =	rddreg [dreg:$0x1];
	p0 =	sne.s32 s2, $0x0  }
0x4c: {  	s3 =	rddreg [dreg:$0x2];
	[bflag:$0x3] =	sbarrier.arrive $0xFFFF;
	s2 =	simm.s32 @!p0 $0x1C03  }
0x4d: {  	[timem:s3], [sflag:s2] =	dma.local @!p0 [hbm:s0], s1  }
0x4e: {  	s0 =	simm.s32 @!p0 $0x3  }
0x4f: {  	_ =	swait.ge @!p0 [sflag:s0], s1  }
0x50: {  	s1 =	ssub.s32 @!p0 $0x0, s1;
	[sflag:s0] =	ssyncset.done @!p0 $0x0  }
0x51: {  	[sflag:s0] =	ssyncadd.s32 @!p0 s1  }
0x52: {  	[bflag:$0x3] =	sbarrier.arrive $0xFFFF  }
0x53: {  	_ =	shalt  }

</sc_bundles>
